<compile_context>
chip_gen: v7x
topology: tpu7x:2x2x1
jax: 0.10.2.dev20260603
libtpu: 0.0.44.dev20260713+nightly
codegen_flags: <defaults>
</compile_context>

<pallas_src>
import functools

import jax
import jax.numpy as jnp
from jax import lax
from jax.experimental import pallas as pl
from jax.experimental.pallas import tpu as pltpu
from jax.experimental.pallas import tpu_sc as plsc

N = 10000
D = 128
DE = 144
E = 320000
NC = 2
NS = 16
NW = NC * NS
EPW = E // NW
C = 40
NCHUNK = EPW // C
EPAD = NW * NCHUNK * C - E
DUMMY = 10016
CZ = 40
NPAD = 10240
RPT = NPAD // NS


NB = 5
NGRP = NCHUNK // NB


def _sc_body(xe_hbm, src_hbm, dst_hbm, sum_hbm, idx_s, idx_d, rows,
             acc, sem_g, sem_s, sem_i):
  c = lax.axis_index("c")
  s = lax.axis_index("s")
  wid = s * NC + c

  zv = jnp.zeros((16,), jnp.float32)

  def zrow(i, carry):
    for j in range(DE // 16):
      rows[0, i, pl.ds(j * 16, 16)] = zv
    return carry
  lax.fori_loop(0, CZ, zrow, 0)

  def zacc(t, carry):
    pltpu.sync_copy(rows.at[0, pl.ds(0, CZ)],
                    acc.at[pl.ds(s * RPT + t * CZ, CZ)])
    return carry
  lax.fori_loop(0, RPT // CZ, zacc, 0)

  row0 = wid * NCHUNK
  pltpu.sync_copy(src_hbm.at[pl.ds(row0, NB)], idx_s.at[0])
  pltpu.sync_copy(dst_hbm.at[pl.ds(row0, NB)], idx_d.at[0])

  plsc.subcore_barrier()

  def one_group(g, p):
    gd = [pltpu.async_copy(xe_hbm.at[idx_s.at[p, b]], rows.at[b], sem_g)
          for b in range(NB)]
    nxt = row0 + (g + 1) * NB
    i1 = pltpu.async_copy(src_hbm.at[pl.ds(nxt, NB)], idx_s.at[1 - p], sem_i)
    i2 = pltpu.async_copy(dst_hbm.at[pl.ds(nxt, NB)], idx_d.at[1 - p], sem_i)
    sd = []
    for b in range(NB):
      gd[b].wait()
      sd.append(pltpu.async_copy(rows.at[b], acc.at[idx_d.at[p, b]],
                                 sem_s, add=True))
    for b in range(NB):
      sd[b].wait()
    i1.wait()
    i2.wait()

  def two_groups(j):
    one_group(2 * j, 0)
    one_group(2 * j + 1, 1)
  pl.loop(0, NGRP // 2)(two_groups)

  plsc.subcore_barrier()

  off = s * RPT
  pltpu.sync_copy(acc.at[pl.ds(off, RPT)], sum_hbm.at[c].at[pl.ds(off, RPT)])


_sc_agg = functools.partial(
    pl.kernel,
    out_type=jax.ShapeDtypeStruct((NC, NPAD, DE), jnp.float32),
    mesh=plsc.VectorSubcoreMesh(core_axis_name="c", subcore_axis_name="s"),
    scratch_types=[
        pltpu.VMEM((2, NB, C), jnp.int32),
        pltpu.VMEM((2, NB, C), jnp.int32),
        pltpu.VMEM((NB, C, DE), jnp.float32),
        pltpu.VMEM_SHARED((NPAD, DE), jnp.float32),
        pltpu.SemaphoreType.DMA,
        pltpu.SemaphoreType.DMA,
        pltpu.SemaphoreType.DMA,
    ],
    compiler_params=pltpu.CompilerParams(use_tc_tiling_on_sc=False),
)(_sc_body)


BR = 400


def _dense_body(x_ref, s0_ref, s1_ref, wl_ref, wr_ref, b_ref, o_ref):
  tot = s0_ref[...] + s1_ref[...]
  cnt = jnp.maximum(tot[:, D:D + 1], 1.0)
  mean = tot[:, :D] / cnt
  h = (jnp.dot(mean, wl_ref[...], preferred_element_type=jnp.float32,
               precision=jax.lax.Precision.HIGHEST)
       + jnp.dot(x_ref[...], wr_ref[...], preferred_element_type=jnp.float32,
                 precision=jax.lax.Precision.HIGHEST)
       + b_ref[...])
  o_ref[...] = jnp.maximum(h, 0.0)


def _dense(x, s0, s1, W_l, W_r, b2):
  return pl.pallas_call(
      _dense_body,
      grid=(N // BR,),
      in_specs=[
          pl.BlockSpec((BR, D), lambda i: (i, 0)),
          pl.BlockSpec((BR, DE), lambda i: (i, 0)),
          pl.BlockSpec((BR, DE), lambda i: (i, 0)),
          pl.BlockSpec((D, D), lambda i: (0, 0)),
          pl.BlockSpec((D, D), lambda i: (0, 0)),
          pl.BlockSpec((1, D), lambda i: (0, 0)),
      ],
      out_specs=pl.BlockSpec((BR, D), lambda i: (i, 0)),
      out_shape=jax.ShapeDtypeStruct((N, D), jnp.float32),
  )(x, s0, s1, W_l, W_r, b2)


def kernel(x, edge_index, W_l, W_r, b_l):
  npad = EPAD + NB * C
  src = jnp.concatenate(
      [edge_index[0].astype(jnp.int32), jnp.zeros((npad,), jnp.int32)]
  ).reshape(-1, C)
  dst = jnp.concatenate(
      [edge_index[1].astype(jnp.int32), jnp.full((npad,), DUMMY, jnp.int32)]
  ).reshape(-1, C)
  xe = jnp.concatenate(
      [x, jnp.ones((N, 1), jnp.float32), jnp.zeros((N, DE - D - 1), jnp.float32)],
      axis=1)
  sums = _sc_agg(xe, src, dst)
  return _dense(x, sums[0], sums[1], W_l, W_r, b_l.reshape(1, D))

# --- scband reference (transcript-rebuilt; emitter-appended) ---
"""Pipeline reference for scband-cycle-generator-4063039062110 (READ-ONLY COPY).

The authoritative reference and input builder live on the scoring server;
editing this copy changes nothing except your own understanding.
"""

import jax, jax.numpy as jnp
import numpy as np

N_NODES = 10000
N_EDGES = 320000
D_IN = 128
D_HID = 128
NUM_BLOCKS = 2


def setup_inputs(seed: int = 0) -> dict:
    key = jax.random.key(seed)
    k1, k2, k3, k4, k5 = jax.random.split(key, 5)
    x = jax.random.normal(k1, (N_NODES, D_IN), dtype=jnp.float32)
    edge_index = jax.random.randint(k2, (2, N_EDGES), 0, N_NODES, dtype=jnp.int64)
    # SAGEConv parameters: lin_l applied to aggregated neighbors (with bias), lin_r to self
    W_l = jax.random.normal(k3, (D_IN, D_HID), dtype=jnp.float32) * (1.0 / np.sqrt(D_IN))
    W_r = jax.random.normal(k4, (D_IN, D_HID), dtype=jnp.float32) * (1.0 / np.sqrt(D_IN))
    b_l = jax.random.normal(k5, (D_HID,), dtype=jnp.float32) * 0.01
    return {"x": x, "edge_index": edge_index, "W_l": W_l, "W_r": W_r, "b_l": b_l}


def reference(x, edge_index, W_l, W_r, b_l):
    src = edge_index[0]
    dst = edge_index[1]
    n = x.shape[0]
    out = None
    for _ in range(NUM_BLOCKS):
        # SAGEConv with mean aggregator: gather source node features along edges
        msgs = jnp.take(x, src, axis=0)  # [E, D_IN] gather
        summed = jax.ops.segment_sum(msgs, dst, num_segments=n)  # [N, D_IN] scatter-add
        cnt = jax.ops.segment_sum(jnp.ones((src.shape[0],), dtype=x.dtype), dst, num_segments=n)
        mean_agg = summed / jnp.clip(cnt, 1.0, None)[:, None]
        h1 = mean_agg @ W_l + b_l + x @ W_r
        out = jax.nn.relu(h1)  # config.activation
    return out

if __name__ == "__main__":
    import jax
    _d = setup_inputs()
    print(jax.jit(kernel)(*tuple(_d.values())))

</pallas_src>

<mosaic_0001>
#map = affine_map<(d0, d1) -> (0, 0)>
#map1 = affine_map<(d0, d1) -> (0, 0, 0)>
module attributes {stable_mosaic.version = 14 : i64} {
  func.func @_sc_body(%arg0: i32, %arg1: i32, %arg2: memref<10000x144xf32, #tpu.memory_space<hbm>>, %arg3: memref<8005x40xi32, #tpu.memory_space<hbm>>, %arg4: memref<8005x40xi32, #tpu.memory_space<hbm>>, %arg5: memref<2x10240x144xf32, #tpu.memory_space<hbm>>, %arg6: memref<2x5x40xi32, #tpu.memory_space<vmem>>, %arg7: memref<2x5x40xi32, #tpu.memory_space<vmem>>, %arg8: memref<5x40x144xf32, #tpu.memory_space<vmem>>, %arg9: memref<10240x144xf32, #tpu.memory_space<vmem_shared>>, %arg10: memref<!tpu.dma_semaphore, #tpu.memory_space<semaphore_mem>>, %arg11: memref<!tpu.dma_semaphore, #tpu.memory_space<semaphore_mem>>, %arg12: memref<!tpu.dma_semaphore, #tpu.memory_space<semaphore_mem>>) attributes {dimension_semantics = [#tpu.dimension_semantics<core_parallel>, #tpu.dimension_semantics<subcore_parallel>], iteration_bounds = array<i64: 2, 16>, scalar_prefetch = 0 : i64, scratch_operands = 7 : i64, tpu.core_type = #tpu.core_type<sc_vector_subcore>, window_params = [{transform_indices = #map}, {transform_indices = #map}, {transform_indices = #map}, {transform_indices = #map1}]} {
    %mul3A = arith.constant 2 : i32
    %mul3A_0 = arith.muli %arg1, %mul3A : i32
    %add3A = arith.addi %mul3A_0, %arg0 : i32
    %broadcast_in_dim3A = arith.constant 0.000000e+00 : f32
    %broadcast_in_dim3A_1 = vector.broadcast %broadcast_in_dim3A : f32 to vector<16xf32>
    %scan3A = arith.constant 0 : i32
    %scan3A_2 = arith.constant 0 : i32
    %scan3A_3 = arith.constant 40 : i32
    %scan3A_4 = arith.addi %scan3A_2, %scan3A_3 : i32
    %scan3A_5 = arith.constant 1 : i32
    scf.for %scan3A_24 = %scan3A_2 to %scan3A_4 step %scan3A_5  : i32 {
      %swap3A = arith.constant 0 : i32
      %swap3A_25 = arith.index_cast %swap3A : i32 to index
      %swap3A_26 = arith.index_cast %scan3A_24 : i32 to index
      %swap3A_27 = arith.constant 0 : index
      %swap3A_28 = tpu.vector_load %arg8[%swap3A_25, %swap3A_26, %swap3A_27] {strides = array<i32>} : memref<5x40x144xf32, #tpu.memory_space<vmem>>, vector<1x1x16xf32>,
      %swap3A_29 = vector.shape_cast %swap3A_28 : vector<1x1x16xf32> to vector<16xf32>
      %swap3A_30 = vector.shape_cast %broadcast_in_dim3A_1 : vector<16xf32> to vector<1x1x16xf32>
      tpu.vector_store %arg8[%swap3A_25, %swap3A_26, %swap3A_27], %swap3A_30 {strides = array<i32>} : memref<5x40x144xf32, #tpu.memory_space<vmem>>, vector<1x1x16xf32>,
      %swap3A_31 = arith.constant 0 : i32
      %swap3A_32 = arith.index_cast %swap3A_31 : i32 to index
      %swap3A_33 = arith.index_cast %scan3A_24 : i32 to index
      %swap3A_34 = arith.constant 16 : index
      %swap3A_35 = tpu.vector_load %arg8[%swap3A_32, %swap3A_33, %swap3A_34] {strides = array<i32>} : memref<5x40x144xf32, #tpu.memory_space<vmem>>, vector<1x1x16xf32>,
      %swap3A_36 = vector.shape_cast %swap3A_35 : vector<1x1x16xf32> to vector<16xf32>
      %swap3A_37 = vector.shape_cast %broadcast_in_dim3A_1 : vector<16xf32> to vector<1x1x16xf32>
      tpu.vector_store %arg8[%swap3A_32, %swap3A_33, %swap3A_34], %swap3A_37 {strides = array<i32>} : memref<5x40x144xf32, #tpu.memory_space<vmem>>, vector<1x1x16xf32>,
      %swap3A_38 = arith.constant 0 : i32
      %swap3A_39 = arith.index_cast %swap3A_38 : i32 to index
      %swap3A_40 = arith.index_cast %scan3A_24 : i32 to index
      %swap3A_41 = arith.constant 32 : index
      %swap3A_42 = tpu.vector_load %arg8[%swap3A_39, %swap3A_40, %swap3A_41] {strides = array<i32>} : memref<5x40x144xf32, #tpu.memory_space<vmem>>, vector<1x1x16xf32>,
      %swap3A_43 = vector.shape_cast %swap3A_42 : vector<1x1x16xf32> to vector<16xf32>
      %swap3A_44 = vector.shape_cast %broadcast_in_dim3A_1 : vector<16xf32> to vector<1x1x16xf32>
      tpu.vector_store %arg8[%swap3A_39, %swap3A_40, %swap3A_41], %swap3A_44 {strides = array<i32>} : memref<5x40x144xf32, #tpu.memory_space<vmem>>, vector<1x1x16xf32>,
      %swap3A_45 = arith.constant 0 : i32
      %swap3A_46 = arith.index_cast %swap3A_45 : i32 to index
      %swap3A_47 = arith.index_cast %scan3A_24 : i32 to index
      %swap3A_48 = arith.constant 48 : index
      %swap3A_49 = tpu.vector_load %arg8[%swap3A_46, %swap3A_47, %swap3A_48] {strides = array<i32>} : memref<5x40x144xf32, #tpu.memory_space<vmem>>, vector<1x1x16xf32>,
      %swap3A_50 = vector.shape_cast %swap3A_49 : vector<1x1x16xf32> to vector<16xf32>
      %swap3A_51 = vector.shape_cast %broadcast_in_dim3A_1 : vector<16xf32> to vector<1x1x16xf32>
      tpu.vector_store %arg8[%swap3A_46, %swap3A_47, %swap3A_48], %swap3A_51 {strides = array<i32>} : memref<5x40x144xf32, #tpu.memory_space<vmem>>, vector<1x1x16xf32>,
      %swap3A_52 = arith.constant 0 : i32
      %swap3A_53 = arith.index_cast %swap3A_52 : i32 to index
      %swap3A_54 = arith.index_cast %scan3A_24 : i32 to index
      %swap3A_55 = arith.constant 64 : index
      %swap3A_56 = tpu.vector_load %arg8[%swap3A_53, %swap3A_54, %swap3A_55] {strides = array<i32>} : memref<5x40x144xf32, #tpu.memory_space<vmem>>, vector<1x1x16xf32>,
      %swap3A_57 = vector.shape_cast %swap3A_56 : vector<1x1x16xf32> to vector<16xf32>
      %swap3A_58 = vector.shape_cast %broadcast_in_dim3A_1 : vector<16xf32> to vector<1x1x16xf32>
      tpu.vector_store %arg8[%swap3A_53, %swap3A_54, %swap3A_55], %swap3A_58 {strides = array<i32>} : memref<5x40x144xf32, #tpu.memory_space<vmem>>, vector<1x1x16xf32>,
      %swap3A_59 = arith.constant 0 : i32
      %swap3A_60 = arith.index_cast %swap3A_59 : i32 to index
      %swap3A_61 = arith.index_cast %scan3A_24 : i32 to index
      %swap3A_62 = arith.constant 80 : index
      %swap3A_63 = tpu.vector_load %arg8[%swap3A_60, %swap3A_61, %swap3A_62] {strides = array<i32>} : memref<5x40x144xf32, #tpu.memory_space<vmem>>, vector<1x1x16xf32>,
      %swap3A_64 = vector.shape_cast %swap3A_63 : vector<1x1x16xf32> to vector<16xf32>
      %swap3A_65 = vector.shape_cast %broadcast_in_dim3A_1 : vector<16xf32> to vector<1x1x16xf32>
      tpu.vector_store %arg8[%swap3A_60, %swap3A_61, %swap3A_62], %swap3A_65 {strides = array<i32>} : memref<5x40x144xf32, #tpu.memory_space<vmem>>, vector<1x1x16xf32>,
      %swap3A_66 = arith.constant 0 : i32
      %swap3A_67 = arith.index_cast %swap3A_66 : i32 to index
      %swap3A_68 = arith.index_cast %scan3A_24 : i32 to index
      %swap3A_69 = arith.constant 96 : index
      %swap3A_70 = tpu.vector_load %arg8[%swap3A_67, %swap3A_68, %swap3A_69] {strides = array<i32>} : memref<5x40x144xf32, #tpu.memory_space<vmem>>, vector<1x1x16xf32>,
      %swap3A_71 = vector.shape_cast %swap3A_70 : vector<1x1x16xf32> to vector<16xf32>
      %swap3A_72 = vector.shape_cast %broadcast_in_dim3A_1 : vector<16xf32> to vector<1x1x16xf32>
      tpu.vector_store %arg8[%swap3A_67, %swap3A_68, %swap3A_69], %swap3A_72 {strides = array<i32>} : memref<5x40x144xf32, #tpu.memory_space<vmem>>, vector<1x1x16xf32>,
      %swap3A_73 = arith.constant 0 : i32
      %swap3A_74 = arith.index_cast %swap3A_73 : i32 to index
      %swap3A_75 = arith.index_cast %scan3A_24 : i32 to index
      %swap3A_76 = arith.constant 112 : index
      %swap3A_77 = tpu.vector_load %arg8[%swap3A_74, %swap3A_75, %swap3A_76] {strides = array<i32>} : memref<5x40x144xf32, #tpu.memory_space<vmem>>, vector<1x1x16xf32>,
      %swap3A_78 = vector.shape_cast %swap3A_77 : vector<1x1x16xf32> to vector<16xf32>
      %swap3A_79 = vector.shape_cast %broadcast_in_dim3A_1 : vector<16xf32> to vector<1x1x16xf32>
      tpu.vector_store %arg8[%swap3A_74, %swap3A_75, %swap3A_76], %swap3A_79 {strides = array<i32>} : memref<5x40x144xf32, #tpu.memory_space<vmem>>, vector<1x1x16xf32>,
      %swap3A_80 = arith.constant 0 : i32
      %swap3A_81 = arith.index_cast %swap3A_80 : i32 to index
      %swap3A_82 = arith.index_cast %scan3A_24 : i32 to index
      %swap3A_83 = arith.constant 128 : index
      %swap3A_84 = tpu.vector_load %arg8[%swap3A_81, %swap3A_82, %swap3A_83] {strides = array<i32>} : memref<5x40x144xf32, #tpu.memory_space<vmem>>, vector<1x1x16xf32>,
      %swap3A_85 = vector.shape_cast %swap3A_84 : vector<1x1x16xf32> to vector<16xf32>
      %swap3A_86 = vector.shape_cast %broadcast_in_dim3A_1 : vector<16xf32> to vector<1x1x16xf32>
      tpu.vector_store %arg8[%swap3A_81, %swap3A_82, %swap3A_83], %swap3A_86 {strides = array<i32>} : memref<5x40x144xf32, #tpu.memory_space<vmem>>, vector<1x1x16xf32>,
    }
    %scan3A_6 = arith.constant 40 : i32
    %scan3A_7 = arith.constant 0 : i32
    %scan3A_8 = arith.constant 0 : i32
    %scan3A_9 = arith.constant 16 : i32
    %scan3A_10 = arith.addi %scan3A_8, %scan3A_9 : i32
    %scan3A_11 = arith.constant 1 : i32
    scf.for %scan3A_24 = %scan3A_8 to %scan3A_10 step %scan3A_11  : i32 {
      %mul3A_25 = arith.constant 640 : i32
      %mul3A_26 = arith.muli %arg1, %mul3A_25 : i32
      %mul3A_27 = arith.constant 40 : i32
      %mul3A_28 = arith.muli %scan3A_24, %mul3A_27 : i32
      %add3A_29 = arith.addi %mul3A_26, %mul3A_28 : i32
      %run_scoped3A_30 = arith.constant 0 : i32
      "tpu.region"() ({
        %run_scoped3A_31 = tpu.sem_alloc : memref<!tpu.dma_semaphore, #tpu.memory_space<semaphore_mem>>
        %dma_start3A = arith.constant 0 : i32
        %dma_start3A_32 = arith.constant 0 : i32
        %dma_start3A_33 = tpu.memref_slice %arg8[%run_scoped3A_30, %dma_start3A, %dma_start3A_32] : memref<5x40x144xf32, #tpu.memory_space<vmem>> -> memref<1x40x144xf32, #tpu.memory_space<vmem>>
        %dma_start3A_34 = tpu.memref_squeeze %dma_start3A_33 : memref<1x40x144xf32, #tpu.memory_space<vmem>> -> memref<40x144xf32, #tpu.memory_space<vmem>>
        %dma_start3A_35 = arith.constant 0 : i32
        %dma_start3A_36 = tpu.memref_slice %arg9[%add3A_29, %dma_start3A_35] : memref<10240x144xf32, #tpu.memory_space<vmem_shared>> -> memref<40x144xf32, #tpu.memory_space<vmem_shared>>
        %dma_start3A_37 = arith.constant 0 : i32
        %dma_start3A_38 = tpu.memref_slice %arg9[%add3A_29, %dma_start3A_37] : memref<10240x144xf32, #tpu.memory_space<vmem_shared>> -> memref<40x144xf32, #tpu.memory_space<vmem_shared>>
        %dma_start3A_39 = arith.constant 0 : i32
        %dma_start3A_40 = arith.constant 0 : i32
        %dma_start3A_41 = tpu.memref_slice %arg8[%run_scoped3A_30, %dma_start3A_39, %dma_start3A_40] : memref<5x40x144xf32, #tpu.memory_space<vmem>> -> memref<1x40x144xf32, #tpu.memory_space<vmem>>
        %dma_start3A_42 = tpu.memref_squeeze %dma_start3A_41 : memref<1x40x144xf32, #tpu.memory_space<vmem>> -> memref<40x144xf32, #tpu.memory_space<vmem>>
        tpu.enqueue_dma source(%dma_start3A_42 : memref<40x144xf32, #tpu.memory_space<vmem>>) target(%dma_start3A_38 : memref<40x144xf32, #tpu.memory_space<vmem_shared>>) target_semaphore(%run_scoped3A_31 : memref<!tpu.dma_semaphore, #tpu.memory_space<semaphore_mem>>)
        %dma_wait3A = arith.constant 0 : i32
        %dma_wait3A_43 = arith.constant 0 : i32
        %dma_wait3A_44 = tpu.memref_slice %arg8[%run_scoped3A_30, %dma_wait3A, %dma_wait3A_43] : memref<5x40x144xf32, #tpu.memory_space<vmem>> -> memref<1x40x144xf32, #tpu.memory_space<vmem>>
        %dma_wait3A_45 = tpu.memref_squeeze %dma_wait3A_44 : memref<1x40x144xf32, #tpu.memory_space<vmem>> -> memref<40x144xf32, #tpu.memory_space<vmem>>
        %dma_wait3A_46 = arith.constant 0 : i32
        %dma_wait3A_47 = tpu.memref_slice %arg9[%add3A_29, %dma_wait3A_46] : memref<10240x144xf32, #tpu.memory_space<vmem_shared>> -> memref<40x144xf32, #tpu.memory_space<vmem_shared>>
        %dma_wait3A_48 = arith.constant 0 : i32
        %dma_wait3A_49 = tpu.memref_slice %arg9[%add3A_29, %dma_wait3A_48] : memref<10240x144xf32, #tpu.memory_space<vmem_shared>> -> memref<40x144xf32, #tpu.memory_space<vmem_shared>>
        %dma_wait3A_50 = arith.constant 0 : i32
        %dma_wait3A_51 = arith.constant 0 : i32
        %dma_wait3A_52 = tpu.memref_slice %arg8[%run_scoped3A_30, %dma_wait3A_50, %dma_wait3A_51] : memref<5x40x144xf32, #tpu.memory_space<vmem>> -> memref<1x40x144xf32, #tpu.memory_space<vmem>>
        %dma_wait3A_53 = tpu.memref_squeeze %dma_wait3A_52 : memref<1x40x144xf32, #tpu.memory_space<vmem>> -> memref<40x144xf32, #tpu.memory_space<vmem>>
        tpu.wait_dma2 semaphore(%run_scoped3A_31 : memref<!tpu.dma_semaphore, #tpu.memory_space<semaphore_mem>>) src(%dma_wait3A_53 : memref<40x144xf32, #tpu.memory_space<vmem>>) dst(%dma_wait3A_49 : memref<40x144xf32, #tpu.memory_space<vmem_shared>>)
        tpu.yield
      }) : () -> ()
    }
    %scan3A_12 = arith.constant 16 : i32
    %mul3A_13 = arith.constant 250 : i32
    %mul3A_14 = arith.muli %add3A, %mul3A_13 : i32
    %run_scoped3A = arith.constant 0 : i32
    "tpu.region"() ({
      %run_scoped3A_24 = tpu.sem_alloc : memref<!tpu.dma_semaphore, #tpu.memory_space<semaphore_mem>>
      %dma_start3A = arith.constant 0 : i32
      %dma_start3A_25 = arith.constant 0 : i32
      %dma_start3A_26 = tpu.memref_slice %arg6[%run_scoped3A, %dma_start3A, %dma_start3A_25] : memref<2x5x40xi32, #tpu.memory_space<vmem>> -> memref<1x5x40xi32, #tpu.memory_space<vmem>>
      %dma_start3A_27 = tpu.memref_squeeze %dma_start3A_26 : memref<1x5x40xi32, #tpu.memory_space<vmem>> -> memref<5x40xi32, #tpu.memory_space<vmem>>
      %dma_start3A_28 = arith.constant 0 : i32
      %dma_start3A_29 = tpu.memref_slice %arg3[%mul3A_14, %dma_start3A_28] : memref<8005x40xi32, #tpu.memory_space<hbm>> -> memref<5x40xi32, #tpu.memory_space<hbm>>
      %dma_start3A_30 = arith.constant 0 : i32
      %dma_start3A_31 = arith.constant 0 : i32
      %dma_start3A_32 = tpu.memref_slice %arg6[%run_scoped3A, %dma_start3A_30, %dma_start3A_31] : memref<2x5x40xi32, #tpu.memory_space<vmem>> -> memref<1x5x40xi32, #tpu.memory_space<vmem>>
      %dma_start3A_33 = tpu.memref_squeeze %dma_start3A_32 : memref<1x5x40xi32, #tpu.memory_space<vmem>> -> memref<5x40xi32, #tpu.memory_space<vmem>>
      %dma_start3A_34 = arith.constant 0 : i32
      %dma_start3A_35 = tpu.memref_slice %arg3[%mul3A_14, %dma_start3A_34] : memref<8005x40xi32, #tpu.memory_space<hbm>> -> memref<5x40xi32, #tpu.memory_space<hbm>>
      tpu.enqueue_dma source(%dma_start3A_35 : memref<5x40xi32, #tpu.memory_space<hbm>>) target(%dma_start3A_33 : memref<5x40xi32, #tpu.memory_space<vmem>>) target_semaphore(%run_scoped3A_24 : memref<!tpu.dma_semaphore, #tpu.memory_space<semaphore_mem>>)
      %dma_wait3A = arith.constant 0 : i32
      %dma_wait3A_36 = arith.constant 0 : i32
      %dma_wait3A_37 = tpu.memref_slice %arg6[%run_scoped3A, %dma_wait3A, %dma_wait3A_36] : memref<2x5x40xi32, #tpu.memory_space<vmem>> -> memref<1x5x40xi32, #tpu.memory_space<vmem>>
      %dma_wait3A_38 = tpu.memref_squeeze %dma_wait3A_37 : memref<1x5x40xi32, #tpu.memory_space<vmem>> -> memref<5x40xi32, #tpu.memory_space<vmem>>
      %dma_wait3A_39 = arith.constant 0 : i32
      %dma_wait3A_40 = tpu.memref_slice %arg3[%mul3A_14, %dma_wait3A_39] : memref<8005x40xi32, #tpu.memory_space<hbm>> -> memref<5x40xi32, #tpu.memory_space<hbm>>
      %dma_wait3A_41 = arith.constant 0 : i32
      %dma_wait3A_42 = arith.constant 0 : i32
      %dma_wait3A_43 = tpu.memref_slice %arg6[%run_scoped3A, %dma_wait3A_41, %dma_wait3A_42] : memref<2x5x40xi32, #tpu.memory_space<vmem>> -> memref<1x5x40xi32, #tpu.memory_space<vmem>>
      %dma_wait3A_44 = tpu.memref_squeeze %dma_wait3A_43 : memref<1x5x40xi32, #tpu.memory_space<vmem>> -> memref<5x40xi32, #tpu.memory_space<vmem>>
      %dma_wait3A_45 = arith.constant 0 : i32
      %dma_wait3A_46 = tpu.memref_slice %arg3[%mul3A_14, %dma_wait3A_45] : memref<8005x40xi32, #tpu.memory_space<hbm>> -> memref<5x40xi32, #tpu.memory_space<hbm>>
      tpu.wait_dma2 semaphore(%run_scoped3A_24 : memref<!tpu.dma_semaphore, #tpu.memory_space<semaphore_mem>>) src(%dma_wait3A_46 : memref<5x40xi32, #tpu.memory_space<hbm>>) dst(%dma_wait3A_44 : memref<5x40xi32, #tpu.memory_space<vmem>>)
      tpu.yield
    }) : () -> ()
    %run_scoped3A_15 = arith.constant 0 : i32
    "tpu.region"() ({
      %run_scoped3A_24 = tpu.sem_alloc : memref<!tpu.dma_semaphore, #tpu.memory_space<semaphore_mem>>
      %dma_start3A = arith.constant 0 : i32
      %dma_start3A_25 = arith.constant 0 : i32
      %dma_start3A_26 = tpu.memref_slice %arg7[%run_scoped3A_15, %dma_start3A, %dma_start3A_25] : memref<2x5x40xi32, #tpu.memory_space<vmem>> -> memref<1x5x40xi32, #tpu.memory_space<vmem>>
      %dma_start3A_27 = tpu.memref_squeeze %dma_start3A_26 : memref<1x5x40xi32, #tpu.memory_space<vmem>> -> memref<5x40xi32, #tpu.memory_space<vmem>>
      %dma_start3A_28 = arith.constant 0 : i32
      %dma_start3A_29 = tpu.memref_slice %arg4[%mul3A_14, %dma_start3A_28] : memref<8005x40xi32, #tpu.memory_space<hbm>> -> memref<5x40xi32, #tpu.memory_space<hbm>>
      %dma_start3A_30 = arith.constant 0 : i32
      %dma_start3A_31 = arith.constant 0 : i32
      %dma_start3A_32 = tpu.memref_slice %arg7[%run_scoped3A_15, %dma_start3A_30, %dma_start3A_31] : memref<2x5x40xi32, #tpu.memory_space<vmem>> -> memref<1x5x40xi32, #tpu.memory_space<vmem>>
      %dma_start3A_33 = tpu.memref_squeeze %dma_start3A_32 : memref<1x5x40xi32, #tpu.memory_space<vmem>> -> memref<5x40xi32, #tpu.memory_space<vmem>>
      %dma_start3A_34 = arith.constant 0 : i32
      %dma_start3A_35 = tpu.memref_slice %arg4[%mul3A_14, %dma_start3A_34] : memref<8005x40xi32, #tpu.memory_space<hbm>> -> memref<5x40xi32, #tpu.memory_space<hbm>>
      tpu.enqueue_dma source(%dma_start3A_35 : memref<5x40xi32, #tpu.memory_space<hbm>>) target(%dma_start3A_33 : memref<5x40xi32, #tpu.memory_space<vmem>>) target_semaphore(%run_scoped3A_24 : memref<!tpu.dma_semaphore, #tpu.memory_space<semaphore_mem>>)
      %dma_wait3A = arith.constant 0 : i32
      %dma_wait3A_36 = arith.constant 0 : i32
      %dma_wait3A_37 = tpu.memref_slice %arg7[%run_scoped3A_15, %dma_wait3A, %dma_wait3A_36] : memref<2x5x40xi32, #tpu.memory_space<vmem>> -> memref<1x5x40xi32, #tpu.memory_space<vmem>>
      %dma_wait3A_38 = tpu.memref_squeeze %dma_wait3A_37 : memref<1x5x40xi32, #tpu.memory_space<vmem>> -> memref<5x40xi32, #tpu.memory_space<vmem>>
      %dma_wait3A_39 = arith.constant 0 : i32
      %dma_wait3A_40 = tpu.memref_slice %arg4[%mul3A_14, %dma_wait3A_39] : memref<8005x40xi32, #tpu.memory_space<hbm>> -> memref<5x40xi32, #tpu.memory_space<hbm>>
      %dma_wait3A_41 = arith.constant 0 : i32
      %dma_wait3A_42 = arith.constant 0 : i32
      %dma_wait3A_43 = tpu.memref_slice %arg7[%run_scoped3A_15, %dma_wait3A_41, %dma_wait3A_42] : memref<2x5x40xi32, #tpu.memory_space<vmem>> -> memref<1x5x40xi32, #tpu.memory_space<vmem>>
      %dma_wait3A_44 = tpu.memref_squeeze %dma_wait3A_43 : memref<1x5x40xi32, #tpu.memory_space<vmem>> -> memref<5x40xi32, #tpu.memory_space<vmem>>
      %dma_wait3A_45 = arith.constant 0 : i32
      %dma_wait3A_46 = tpu.memref_slice %arg4[%mul3A_14, %dma_wait3A_45] : memref<8005x40xi32, #tpu.memory_space<hbm>> -> memref<5x40xi32, #tpu.memory_space<hbm>>
      tpu.wait_dma2 semaphore(%run_scoped3A_24 : memref<!tpu.dma_semaphore, #tpu.memory_space<semaphore_mem>>) src(%dma_wait3A_46 : memref<5x40xi32, #tpu.memory_space<hbm>>) dst(%dma_wait3A_44 : memref<5x40xi32, #tpu.memory_space<vmem>>)
      tpu.yield
    }) : () -> ()
    %barrier3A = arith.constant 0 : index
    tpu.barrier barrier_id(%barrier3A)
    %scan3A_16 = arith.constant 0 : i32
    %scan3A_17 = arith.constant 25 : i32
    %scan3A_18 = arith.addi %scan3A_16, %scan3A_17 : i32
    %scan3A_19 = arith.constant 1 : i32
    scf.for %scan3A_24 = %scan3A_16 to %scan3A_18 step %scan3A_19  : i32 {
      %mul3A_25 = arith.constant 1 : i32
      %mul3A_26 = arith.muli %scan3A_24, %mul3A_25 : i32
      %add3A_27 = arith.constant 0 : i32
      %add3A_28 = arith.addi %add3A_27, %mul3A_26 : i32
      %mul3A_29 = arith.constant 2 : i32
      %mul3A_30 = arith.muli %mul3A_29, %add3A_28 : i32
      %dma_start3A = arith.constant 0 : i32
      %dma_start3A_31 = arith.constant 0 : i32
      %dma_start3A_32 = arith.constant 0 : i32
      %dma_start3A_33 = arith.constant 0 : i32
      %dma_start3A_34 = arith.constant 0 : i32
      %dma_start3A_35 = tpu.memref_slice %arg8[%dma_start3A_32, %dma_start3A_33, %dma_start3A_34] : memref<5x40x144xf32, #tpu.memory_space<vmem>> -> memref<1x40x144xf32, #tpu.memory_space<vmem>>
      %dma_start3A_36 = tpu.memref_squeeze %dma_start3A_35 : memref<1x40x144xf32, #tpu.memory_space<vmem>> -> memref<40x144xf32, #tpu.memory_space<vmem>>
      %dma_start3A_37 = arith.constant 0 : i32
      %dma_start3A_38 = tpu.memref_slice %arg6[%dma_start3A, %dma_start3A_31, %dma_start3A_37] : memref<2x5x40xi32, #tpu.memory_space<vmem>> -> memref<1x1x40xi32, #tpu.memory_space<vmem>>
      %dma_start3A_39 = tpu.memref_squeeze %dma_start3A_38 : memref<1x1x40xi32, #tpu.memory_space<vmem>> -> memref<40xi32, #tpu.memory_space<vmem>>
      %dma_start3A_40 = arith.constant 0 : i32
      %dma_start3A_41 = arith.constant 0 : i32
      %dma_start3A_42 = tpu.memref_slice %arg2[%dma_start3A_40, %dma_start3A_41] : memref<10000x144xf32, #tpu.memory_space<hbm>> -> memref<10000x144xf32, #tpu.memory_space<hbm>>
      tpu.enqueue_indirect_dma source(%dma_start3A_42 : memref<10000x144xf32, #tpu.memory_space<hbm>>) target(%dma_start3A_36 : memref<40x144xf32, #tpu.memory_space<vmem>>) offsets(%dma_start3A_39 : memref<40xi32, #tpu.memory_space<vmem>>) semaphore(%arg10 : memref<!tpu.dma_semaphore, #tpu.memory_space<semaphore_mem>>)
      %dma_start3A_43 = arith.constant 0 : i32
      %dma_start3A_44 = arith.constant 1 : i32
      %dma_start3A_45 = arith.constant 1 : i32
      %dma_start3A_46 = arith.constant 0 : i32
      %dma_start3A_47 = arith.constant 0 : i32
      %dma_start3A_48 = tpu.memref_slice %arg8[%dma_start3A_45, %dma_start3A_46, %dma_start3A_47] : memref<5x40x144xf32, #tpu.memory_space<vmem>> -> memref<1x40x144xf32, #tpu.memory_space<vmem>>
      %dma_start3A_49 = tpu.memref_squeeze %dma_start3A_48 : memref<1x40x144xf32, #tpu.memory_space<vmem>> -> memref<40x144xf32, #tpu.memory_space<vmem>>
      %dma_start3A_50 = arith.constant 0 : i32
      %dma_start3A_51 = tpu.memref_slice %arg6[%dma_start3A_43, %dma_start3A_44, %dma_start3A_50] : memref<2x5x40xi32, #tpu.memory_space<vmem>> -> memref<1x1x40xi32, #tpu.memory_space<vmem>>
      %dma_start3A_52 = tpu.memref_squeeze %dma_start3A_51 : memref<1x1x40xi32, #tpu.memory_space<vmem>> -> memref<40xi32, #tpu.memory_space<vmem>>
      %dma_start3A_53 = arith.constant 0 : i32
      %dma_start3A_54 = arith.constant 0 : i32
      %dma_start3A_55 = tpu.memref_slice %arg2[%dma_start3A_53, %dma_start3A_54] : memref<10000x144xf32, #tpu.memory_space<hbm>> -> memref<10000x144xf32, #tpu.memory_space<hbm>>
      tpu.enqueue_indirect_dma source(%dma_start3A_55 : memref<10000x144xf32, #tpu.memory_space<hbm>>) target(%dma_start3A_49 : memref<40x144xf32, #tpu.memory_space<vmem>>) offsets(%dma_start3A_52 : memref<40xi32, #tpu.memory_space<vmem>>) semaphore(%arg10 : memref<!tpu.dma_semaphore, #tpu.memory_space<semaphore_mem>>)
      %dma_start3A_56 = arith.constant 0 : i32
      %dma_start3A_57 = arith.constant 2 : i32
      %dma_start3A_58 = arith.constant 2 : i32
      %dma_start3A_59 = arith.constant 0 : i32
      %dma_start3A_60 = arith.constant 0 : i32
      %dma_start3A_61 = tpu.memref_slice %arg8[%dma_start3A_58, %dma_start3A_59, %dma_start3A_60] : memref<5x40x144xf32, #tpu.memory_space<vmem>> -> memref<1x40x144xf32, #tpu.memory_space<vmem>>
      %dma_start3A_62 = tpu.memref_squeeze %dma_start3A_61 : memref<1x40x144xf32, #tpu.memory_space<vmem>> -> memref<40x144xf32, #tpu.memory_space<vmem>>
      %dma_start3A_63 = arith.constant 0 : i32
      %dma_start3A_64 = tpu.memref_slice %arg6[%dma_start3A_56, %dma_start3A_57, %dma_start3A_63] : memref<2x5x40xi32, #tpu.memory_space<vmem>> -> memref<1x1x40xi32, #tpu.memory_space<vmem>>
      %dma_start3A_65 = tpu.memref_squeeze %dma_start3A_64 : memref<1x1x40xi32, #tpu.memory_space<vmem>> -> memref<40xi32, #tpu.memory_space<vmem>>
      %dma_start3A_66 = arith.constant 0 : i32
      %dma_start3A_67 = arith.constant 0 : i32
      %dma_start3A_68 = tpu.memref_slice %arg2[%dma_start3A_66, %dma_start3A_67] : memref<10000x144xf32, #tpu.memory_space<hbm>> -> memref<10000x144xf32, #tpu.memory_space<hbm>>
      tpu.enqueue_indirect_dma source(%dma_start3A_68 : memref<10000x144xf32, #tpu.memory_space<hbm>>) target(%dma_start3A_62 : memref<40x144xf32, #tpu.memory_space<vmem>>) offsets(%dma_start3A_65 : memref<40xi32, #tpu.memory_space<vmem>>) semaphore(%arg10 : memref<!tpu.dma_semaphore, #tpu.memory_space<semaphore_mem>>)
      %dma_start3A_69 = arith.constant 0 : i32
      %dma_start3A_70 = arith.constant 3 : i32
      %dma_start3A_71 = arith.constant 3 : i32
      %dma_start3A_72 = arith.constant 0 : i32
      %dma_start3A_73 = arith.constant 0 : i32
      %dma_start3A_74 = tpu.memref_slice %arg8[%dma_start3A_71, %dma_start3A_72, %dma_start3A_73] : memref<5x40x144xf32, #tpu.memory_space<vmem>> -> memref<1x40x144xf32, #tpu.memory_space<vmem>>
      %dma_start3A_75 = tpu.memref_squeeze %dma_start3A_74 : memref<1x40x144xf32, #tpu.memory_space<vmem>> -> memref<40x144xf32, #tpu.memory_space<vmem>>
      %dma_start3A_76 = arith.constant 0 : i32
      %dma_start3A_77 = tpu.memref_slice %arg6[%dma_start3A_69, %dma_start3A_70, %dma_start3A_76] : memref<2x5x40xi32, #tpu.memory_space<vmem>> -> memref<1x1x40xi32, #tpu.memory_space<vmem>>
      %dma_start3A_78 = tpu.memref_squeeze %dma_start3A_77 : memref<1x1x40xi32, #tpu.memory_space<vmem>> -> memref<40xi32, #tpu.memory_space<vmem>>
      %dma_start3A_79 = arith.constant 0 : i32
      %dma_start3A_80 = arith.constant 0 : i32
      %dma_start3A_81 = tpu.memref_slice %arg2[%dma_start3A_79, %dma_start3A_80] : memref<10000x144xf32, #tpu.memory_space<hbm>> -> memref<10000x144xf32, #tpu.memory_space<hbm>>
      tpu.enqueue_indirect_dma source(%dma_start3A_81 : memref<10000x144xf32, #tpu.memory_space<hbm>>) target(%dma_start3A_75 : memref<40x144xf32, #tpu.memory_space<vmem>>) offsets(%dma_start3A_78 : memref<40xi32, #tpu.memory_space<vmem>>) semaphore(%arg10 : memref<!tpu.dma_semaphore, #tpu.memory_space<semaphore_mem>>)
      %dma_start3A_82 = arith.constant 0 : i32
      %dma_start3A_83 = arith.constant 4 : i32
      %dma_start3A_84 = arith.constant 4 : i32
      %dma_start3A_85 = arith.constant 0 : i32
      %dma_start3A_86 = arith.constant 0 : i32
      %dma_start3A_87 = tpu.memref_slice %arg8[%dma_start3A_84, %dma_start3A_85, %dma_start3A_86] : memref<5x40x144xf32, #tpu.memory_space<vmem>> -> memref<1x40x144xf32, #tpu.memory_space<vmem>>
      %dma_start3A_88 = tpu.memref_squeeze %dma_start3A_87 : memref<1x40x144xf32, #tpu.memory_space<vmem>> -> memref<40x144xf32, #tpu.memory_space<vmem>>
      %dma_start3A_89 = arith.constant 0 : i32
      %dma_start3A_90 = tpu.memref_slice %arg6[%dma_start3A_82, %dma_start3A_83, %dma_start3A_89] : memref<2x5x40xi32, #tpu.memory_space<vmem>> -> memref<1x1x40xi32, #tpu.memory_space<vmem>>
      %dma_start3A_91 = tpu.memref_squeeze %dma_start3A_90 : memref<1x1x40xi32, #tpu.memory_space<vmem>> -> memref<40xi32, #tpu.memory_space<vmem>>
      %dma_start3A_92 = arith.constant 0 : i32
      %dma_start3A_93 = arith.constant 0 : i32
      %dma_start3A_94 = tpu.memref_slice %arg2[%dma_start3A_92, %dma_start3A_93] : memref<10000x144xf32, #tpu.memory_space<hbm>> -> memref<10000x144xf32, #tpu.memory_space<hbm>>
      tpu.enqueue_indirect_dma source(%dma_start3A_94 : memref<10000x144xf32, #tpu.memory_space<hbm>>) target(%dma_start3A_88 : memref<40x144xf32, #tpu.memory_space<vmem>>) offsets(%dma_start3A_91 : memref<40xi32, #tpu.memory_space<vmem>>) semaphore(%arg10 : memref<!tpu.dma_semaphore, #tpu.memory_space<semaphore_mem>>)
      %add3A_95 = arith.constant 1 : i32
      %add3A_96 = arith.addi %mul3A_30, %add3A_95 : i32
      %mul3A_97 = arith.constant 5 : i32
      %mul3A_98 = arith.muli %add3A_96, %mul3A_97 : i32
      %add3A_99 = arith.addi %mul3A_14, %mul3A_98 : i32
      %dma_start3A_100 = arith.constant 1 : i32
      %dma_start3A_101 = arith.constant 0 : i32
      %dma_start3A_102 = arith.constant 0 : i32
      %dma_start3A_103 = tpu.memref_slice %arg6[%dma_start3A_100, %dma_start3A_101, %dma_start3A_102] : memref<2x5x40xi32, #tpu.memory_space<vmem>> -> memref<1x5x40xi32, #tpu.memory_space<vmem>>
      %dma_start3A_104 = tpu.memref_squeeze %dma_start3A_103 : memref<1x5x40xi32, #tpu.memory_space<vmem>> -> memref<5x40xi32, #tpu.memory_space<vmem>>
      %dma_start3A_105 = arith.constant 0 : i32
      %dma_start3A_106 = tpu.memref_slice %arg3[%add3A_99, %dma_start3A_105] : memref<8005x40xi32, #tpu.memory_space<hbm>> -> memref<5x40xi32, #tpu.memory_space<hbm>>
      %dma_start3A_107 = arith.constant 0 : i32
      %dma_start3A_108 = arith.constant 0 : i32
      %dma_start3A_109 = tpu.memref_slice %arg6[%dma_start3A_100, %dma_start3A_107, %dma_start3A_108] : memref<2x5x40xi32, #tpu.memory_space<vmem>> -> memref<1x5x40xi32, #tpu.memory_space<vmem>>
      %dma_start3A_110 = tpu.memref_squeeze %dma_start3A_109 : memref<1x5x40xi32, #tpu.memory_space<vmem>> -> memref<5x40xi32, #tpu.memory_space<vmem>>
      %dma_start3A_111 = arith.constant 0 : i32
      %dma_start3A_112 = tpu.memref_slice %arg3[%add3A_99, %dma_start3A_111] : memref<8005x40xi32, #tpu.memory_space<hbm>> -> memref<5x40xi32, #tpu.memory_space<hbm>>
      tpu.enqueue_dma source(%dma_start3A_112 : memref<5x40xi32, #tpu.memory_space<hbm>>) target(%dma_start3A_110 : memref<5x40xi32, #tpu.memory_space<vmem>>) target_semaphore(%arg12 : memref<!tpu.dma_semaphore, #tpu.memory_space<semaphore_mem>>)
      %dma_start3A_113 = arith.constant 1 : i32
      %dma_start3A_114 = arith.constant 0 : i32
      %dma_start3A_115 = arith.constant 0 : i32
      %dma_start3A_116 = tpu.memref_slice %arg7[%dma_start3A_113, %dma_start3A_114, %dma_start3A_115] : memref<2x5x40xi32, #tpu.memory_space<vmem>> -> memref<1x5x40xi32, #tpu.memory_space<vmem>>
      %dma_start3A_117 = tpu.memref_squeeze %dma_start3A_116 : memref<1x5x40xi32, #tpu.memory_space<vmem>> -> memref<5x40xi32, #tpu.memory_space<vmem>>
      %dma_start3A_118 = arith.constant 0 : i32
      %dma_start3A_119 = tpu.memref_slice %arg4[%add3A_99, %dma_start3A_118] : memref<8005x40xi32, #tpu.memory_space<hbm>> -> memref<5x40xi32, #tpu.memory_space<hbm>>
      %dma_start3A_120 = arith.constant 0 : i32
      %dma_start3A_121 = arith.constant 0 : i32
      %dma_start3A_122 = tpu.memref_slice %arg7[%dma_start3A_113, %dma_start3A_120, %dma_start3A_121] : memref<2x5x40xi32, #tpu.memory_space<vmem>> -> memref<1x5x40xi32, #tpu.memory_space<vmem>>
      %dma_start3A_123 = tpu.memref_squeeze %dma_start3A_122 : memref<1x5x40xi32, #tpu.memory_space<vmem>> -> memref<5x40xi32, #tpu.memory_space<vmem>>
      %dma_start3A_124 = arith.constant 0 : i32
      %dma_start3A_125 = tpu.memref_slice %arg4[%add3A_99, %dma_start3A_124] : memref<8005x40xi32, #tpu.memory_space<hbm>> -> memref<5x40xi32, #tpu.memory_space<hbm>>
      tpu.enqueue_dma source(%dma_start3A_125 : memref<5x40xi32, #tpu.memory_space<hbm>>) target(%dma_start3A_123 : memref<5x40xi32, #tpu.memory_space<vmem>>) target_semaphore(%arg12 : memref<!tpu.dma_semaphore, #tpu.memory_space<semaphore_mem>>)
      %dma_wait3A = arith.constant 0 : i32
      %dma_wait3A_126 = arith.constant 0 : i32
      %dma_wait3A_127 = arith.constant 0 : i32
      %dma_wait3A_128 = arith.constant 0 : i32
      %dma_wait3A_129 = arith.constant 0 : i32
      %dma_wait3A_130 = tpu.memref_slice %arg8[%dma_wait3A_127, %dma_wait3A_128, %dma_wait3A_129] : memref<5x40x144xf32, #tpu.memory_space<vmem>> -> memref<1x40x144xf32, #tpu.memory_space<vmem>>
      %dma_wait3A_131 = tpu.memref_squeeze %dma_wait3A_130 : memref<1x40x144xf32, #tpu.memory_space<vmem>> -> memref<40x144xf32, #tpu.memory_space<vmem>>
      %dma_wait3A_132 = arith.constant 0 : i32
      %dma_wait3A_133 = tpu.memref_slice %arg6[%dma_wait3A, %dma_wait3A_126, %dma_wait3A_132] : memref<2x5x40xi32, #tpu.memory_space<vmem>> -> memref<1x1x40xi32, #tpu.memory_space<vmem>>
      %dma_wait3A_134 = tpu.memref_squeeze %dma_wait3A_133 : memref<1x1x40xi32, #tpu.memory_space<vmem>> -> memref<40xi32, #tpu.memory_space<vmem>>
      %dma_wait3A_135 = arith.constant 0 : i32
      %dma_wait3A_136 = arith.constant 0 : i32
      %dma_wait3A_137 = tpu.memref_slice %arg2[%dma_wait3A_135, %dma_wait3A_136] : memref<10000x144xf32, #tpu.memory_space<hbm>> -> memref<10000x144xf32, #tpu.memory_space<hbm>>
      tpu.wait_indirect_dma semaphore(%arg10 : memref<!tpu.dma_semaphore, #tpu.memory_space<semaphore_mem>>) src(%dma_wait3A_137 : memref<10000x144xf32, #tpu.memory_space<hbm>>) dst(%dma_wait3A_131 : memref<40x144xf32, #tpu.memory_space<vmem>>)
      %dma_start3A_138 = arith.constant 0 : i32
      %dma_start3A_139 = arith.constant 0 : i32
      %dma_start3A_140 = arith.constant 0 : i32
      %dma_start3A_141 = arith.constant 0 : i32
      %dma_start3A_142 = arith.constant 0 : i32
      %dma_start3A_143 = tpu.memref_slice %arg8[%dma_start3A_138, %dma_start3A_141, %dma_start3A_142] : memref<5x40x144xf32, #tpu.memory_space<vmem>> -> memref<1x40x144xf32, #tpu.memory_space<vmem>>
      %dma_start3A_144 = tpu.memref_squeeze %dma_start3A_143 : memref<1x40x144xf32, #tpu.memory_space<vmem>> -> memref<40x144xf32, #tpu.memory_space<vmem>>
      %dma_start3A_145 = arith.constant 0 : i32
      %dma_start3A_146 = tpu.memref_slice %arg7[%dma_start3A_139, %dma_start3A_140, %dma_start3A_145] : memref<2x5x40xi32, #tpu.memory_space<vmem>> -> memref<1x1x40xi32, #tpu.memory_space<vmem>>
      %dma_start3A_147 = tpu.memref_squeeze %dma_start3A_146 : memref<1x1x40xi32, #tpu.memory_space<vmem>> -> memref<40xi32, #tpu.memory_space<vmem>>
      %dma_start3A_148 = arith.constant 0 : i32
      %dma_start3A_149 = arith.constant 0 : i32
      %dma_start3A_150 = tpu.memref_slice %arg9[%dma_start3A_148, %dma_start3A_149] : memref<10240x144xf32, #tpu.memory_space<vmem_shared>> -> memref<10240x144xf32, #tpu.memory_space<vmem_shared>>
      tpu.enqueue_indirect_dma source(%dma_start3A_144 : memref<40x144xf32, #tpu.memory_space<vmem>>) target(%dma_start3A_150 : memref<10240x144xf32, #tpu.memory_space<vmem_shared>>) offsets(%dma_start3A_147 : memref<40xi32, #tpu.memory_space<vmem>>) semaphore(%arg11 : memref<!tpu.dma_semaphore, #tpu.memory_space<semaphore_mem>>) {add = true}
      %dma_wait3A_151 = arith.constant 0 : i32
      %dma_wait3A_152 = arith.constant 1 : i32
      %dma_wait3A_153 = arith.constant 1 : i32
      %dma_wait3A_154 = arith.constant 0 : i32
      %dma_wait3A_155 = arith.constant 0 : i32
      %dma_wait3A_156 = tpu.memref_slice %arg8[%dma_wait3A_153, %dma_wait3A_154, %dma_wait3A_155] : memref<5x40x144xf32, #tpu.memory_space<vmem>> -> memref<1x40x144xf32, #tpu.memory_space<vmem>>
      %dma_wait3A_157 = tpu.memref_squeeze %dma_wait3A_156 : memref<1x40x144xf32, #tpu.memory_space<vmem>> -> memref<40x144xf32, #tpu.memory_space<vmem>>
      %dma_wait3A_158 = arith.constant 0 : i32
      %dma_wait3A_159 = tpu.memref_slice %arg6[%dma_wait3A_151, %dma_wait3A_152, %dma_wait3A_158] : memref<2x5x40xi32, #tpu.memory_space<vmem>> -> memref<1x1x40xi32, #tpu.memory_space<vmem>>
      %dma_wait3A_160 = tpu.memref_squeeze %dma_wait3A_159 : memref<1x1x40xi32, #tpu.memory_space<vmem>> -> memref<40xi32, #tpu.memory_space<vmem>>
      %dma_wait3A_161 = arith.constant 0 : i32
      %dma_wait3A_162 = arith.constant 0 : i32
      %dma_wait3A_163 = tpu.memref_slice %arg2[%dma_wait3A_161, %dma_wait3A_162] : memref<10000x144xf32, #tpu.memory_space<hbm>> -> memref<10000x144xf32, #tpu.memory_space<hbm>>
      tpu.wait_indirect_dma semaphore(%arg10 : memref<!tpu.dma_semaphore, #tpu.memory_space<semaphore_mem>>) src(%dma_wait3A_163 : memref<10000x144xf32, #tpu.memory_space<hbm>>) dst(%dma_wait3A_157 : memref<40x144xf32, #tpu.memory_space<vmem>>)
      %dma_start3A_164 = arith.constant 1 : i32
      %dma_start3A_165 = arith.constant 0 : i32
      %dma_start3A_166 = arith.constant 1 : i32
      %dma_start3A_167 = arith.constant 0 : i32
      %dma_start3A_168 = arith.constant 0 : i32
      %dma_start3A_169 = tpu.memref_slice %arg8[%dma_start3A_164, %dma_start3A_167, %dma_start3A_168] : memref<5x40x144xf32, #tpu.memory_space<vmem>> -> memref<1x40x144xf32, #tpu.memory_space<vmem>>
      %dma_start3A_170 = tpu.memref_squeeze %dma_start3A_169 : memref<1x40x144xf32, #tpu.memory_space<vmem>> -> memref<40x144xf32, #tpu.memory_space<vmem>>
      %dma_start3A_171 = arith.constant 0 : i32
      %dma_start3A_172 = tpu.memref_slice %arg7[%dma_start3A_165, %dma_start3A_166, %dma_start3A_171] : memref<2x5x40xi32, #tpu.memory_space<vmem>> -> memref<1x1x40xi32, #tpu.memory_space<vmem>>
      %dma_start3A_173 = tpu.memref_squeeze %dma_start3A_172 : memref<1x1x40xi32, #tpu.memory_space<vmem>> -> memref<40xi32, #tpu.memory_space<vmem>>
      %dma_start3A_174 = arith.constant 0 : i32
      %dma_start3A_175 = arith.constant 0 : i32
      %dma_start3A_176 = tpu.memref_slice %arg9[%dma_start3A_174, %dma_start3A_175] : memref<10240x144xf32, #tpu.memory_space<vmem_shared>> -> memref<10240x144xf32, #tpu.memory_space<vmem_shared>>
      tpu.enqueue_indirect_dma source(%dma_start3A_170 : memref<40x144xf32, #tpu.memory_space<vmem>>) target(%dma_start3A_176 : memref<10240x144xf32, #tpu.memory_space<vmem_shared>>) offsets(%dma_start3A_173 : memref<40xi32, #tpu.memory_space<vmem>>) semaphore(%arg11 : memref<!tpu.dma_semaphore, #tpu.memory_space<semaphore_mem>>) {add = true}
      %dma_wait3A_177 = arith.constant 0 : i32
      %dma_wait3A_178 = arith.constant 2 : i32
      %dma_wait3A_179 = arith.constant 2 : i32
      %dma_wait3A_180 = arith.constant 0 : i32
      %dma_wait3A_181 = arith.constant 0 : i32
      %dma_wait3A_182 = tpu.memref_slice %arg8[%dma_wait3A_179, %dma_wait3A_180, %dma_wait3A_181] : memref<5x40x144xf32, #tpu.memory_space<vmem>> -> memref<1x40x144xf32, #tpu.memory_space<vmem>>
      %dma_wait3A_183 = tpu.memref_squeeze %dma_wait3A_182 : memref<1x40x144xf32, #tpu.memory_space<vmem>> -> memref<40x144xf32, #tpu.memory_space<vmem>>
      %dma_wait3A_184 = arith.constant 0 : i32
      %dma_wait3A_185 = tpu.memref_slice %arg6[%dma_wait3A_177, %dma_wait3A_178, %dma_wait3A_184] : memref<2x5x40xi32, #tpu.memory_space<vmem>> -> memref<1x1x40xi32, #tpu.memory_space<vmem>>
      %dma_wait3A_186 = tpu.memref_squeeze %dma_wait3A_185 : memref<1x1x40xi32, #tpu.memory_space<vmem>> -> memref<40xi32, #tpu.memory_space<vmem>>
      %dma_wait3A_187 = arith.constant 0 : i32
      %dma_wait3A_188 = arith.constant 0 : i32
      %dma_wait3A_189 = tpu.memref_slice %arg2[%dma_wait3A_187, %dma_wait3A_188] : memref<10000x144xf32, #tpu.memory_space<hbm>> -> memref<10000x144xf32, #tpu.memory_space<hbm>>
      tpu.wait_indirect_dma semaphore(%arg10 : memref<!tpu.dma_semaphore, #tpu.memory_space<semaphore_mem>>) src(%dma_wait3A_189 : memref<10000x144xf32, #tpu.memory_space<hbm>>) dst(%dma_wait3A_183 : memref<40x144xf32, #tpu.memory_space<vmem>>)
      %dma_start3A_190 = arith.constant 2 : i32
      %dma_start3A_191 = arith.constant 0 : i32
      %dma_start3A_192 = arith.constant 2 : i32
      %dma_start3A_193 = arith.constant 0 : i32
      %dma_start3A_194 = arith.constant 0 : i32
      %dma_start3A_195 = tpu.memref_slice %arg8[%dma_start3A_190, %dma_start3A_193, %dma_start3A_194] : memref<5x40x144xf32, #tpu.memory_space<vmem>> -> memref<1x40x144xf32, #tpu.memory_space<vmem>>
      %dma_start3A_196 = tpu.memref_squeeze %dma_start3A_195 : memref<1x40x144xf32, #tpu.memory_space<vmem>> -> memref<40x144xf32, #tpu.memory_space<vmem>>
      %dma_start3A_197 = arith.constant 0 : i32
      %dma_start3A_198 = tpu.memref_slice %arg7[%dma_start3A_191, %dma_start3A_192, %dma_start3A_197] : memref<2x5x40xi32, #tpu.memory_space<vmem>> -> memref<1x1x40xi32, #tpu.memory_space<vmem>>
      %dma_start3A_199 = tpu.memref_squeeze %dma_start3A_198 : memref<1x1x40xi32, #tpu.memory_space<vmem>> -> memref<40xi32, #tpu.memory_space<vmem>>
      %dma_start3A_200 = arith.constant 0 : i32
      %dma_start3A_201 = arith.constant 0 : i32
      %dma_start3A_202 = tpu.memref_slice %arg9[%dma_start3A_200, %dma_start3A_201] : memref<10240x144xf32, #tpu.memory_space<vmem_shared>> -> memref<10240x144xf32, #tpu.memory_space<vmem_shared>>
      tpu.enqueue_indirect_dma source(%dma_start3A_196 : memref<40x144xf32, #tpu.memory_space<vmem>>) target(%dma_start3A_202 : memref<10240x144xf32, #tpu.memory_space<vmem_shared>>) offsets(%dma_start3A_199 : memref<40xi32, #tpu.memory_space<vmem>>) semaphore(%arg11 : memref<!tpu.dma_semaphore, #tpu.memory_space<semaphore_mem>>) {add = true}
      %dma_wait3A_203 = arith.constant 0 : i32
      %dma_wait3A_204 = arith.constant 3 : i32
      %dma_wait3A_205 = arith.constant 3 : i32
      %dma_wait3A_206 = arith.constant 0 : i32
      %dma_wait3A_207 = arith.constant 0 : i32
      %dma_wait3A_208 = tpu.memref_slice %arg8[%dma_wait3A_205, %dma_wait3A_206, %dma_wait3A_207] : memref<5x40x144xf32, #tpu.memory_space<vmem>> -> memref<1x40x144xf32, #tpu.memory_space<vmem>>
      %dma_wait3A_209 = tpu.memref_squeeze %dma_wait3A_208 : memref<1x40x144xf32, #tpu.memory_space<vmem>> -> memref<40x144xf32, #tpu.memory_space<vmem>>
      %dma_wait3A_210 = arith.constant 0 : i32
      %dma_wait3A_211 = tpu.memref_slice %arg6[%dma_wait3A_203, %dma_wait3A_204, %dma_wait3A_210] : memref<2x5x40xi32, #tpu.memory_space<vmem>> -> memref<1x1x40xi32, #tpu.memory_space<vmem>>
      %dma_wait3A_212 = tpu.memref_squeeze %dma_wait3A_211 : memref<1x1x40xi32, #tpu.memory_space<vmem>> -> memref<40xi32, #tpu.memory_space<vmem>>
      %dma_wait3A_213 = arith.constant 0 : i32
      %dma_wait3A_214 = arith.constant 0 : i32
      %dma_wait3A_215 = tpu.memref_slice %arg2[%dma_wait3A_213, %dma_wait3A_214] : memref<10000x144xf32, #tpu.memory_space<hbm>> -> memref<10000x144xf32, #tpu.memory_space<hbm>>
      tpu.wait_indirect_dma semaphore(%arg10 : memref<!tpu.dma_semaphore, #tpu.memory_space<semaphore_mem>>) src(%dma_wait3A_215 : memref<10000x144xf32, #tpu.memory_space<hbm>>) dst(%dma_wait3A_209 : memref<40x144xf32, #tpu.memory_space<vmem>>)
      %dma_start3A_216 = arith.constant 3 : i32
      %dma_start3A_217 = arith.constant 0 : i32
      %dma_start3A_218 = arith.constant 3 : i32
      %dma_start3A_219 = arith.constant 0 : i32
      %dma_start3A_220 = arith.constant 0 : i32
      %dma_start3A_221 = tpu.memref_slice %arg8[%dma_start3A_216, %dma_start3A_219, %dma_start3A_220] : memref<5x40x144xf32, #tpu.memory_space<vmem>> -> memref<1x40x144xf32, #tpu.memory_space<vmem>>
      %dma_start3A_222 = tpu.memref_squeeze %dma_start3A_221 : memref<1x40x144xf32, #tpu.memory_space<vmem>> -> memref<40x144xf32, #tpu.memory_space<vmem>>
      %dma_start3A_223 = arith.constant 0 : i32
      %dma_start3A_224 = tpu.memref_slice %arg7[%dma_start3A_217, %dma_start3A_218, %dma_start3A_223] : memref<2x5x40xi32, #tpu.memory_space<vmem>> -> memref<1x1x40xi32, #tpu.memory_space<vmem>>
      %dma_start3A_225 = tpu.memref_squeeze %dma_start3A_224 : memref<1x1x40xi32, #tpu.memory_space<vmem>> -> memref<40xi32, #tpu.memory_space<vmem>>
      %dma_start3A_226 = arith.constant 0 : i32
      %dma_start3A_227 = arith.constant 0 : i32
      %dma_start3A_228 = tpu.memref_slice %arg9[%dma_start3A_226, %dma_start3A_227] : memref<10240x144xf32, #tpu.memory_space<vmem_shared>> -> memref<10240x144xf32, #tpu.memory_space<vmem_shared>>
      tpu.enqueue_indirect_dma source(%dma_start3A_222 : memref<40x144xf32, #tpu.memory_space<vmem>>) target(%dma_start3A_228 : memref<10240x144xf32, #tpu.memory_space<vmem_shared>>) offsets(%dma_start3A_225 : memref<40xi32, #tpu.memory_space<vmem>>) semaphore(%arg11 : memref<!tpu.dma_semaphore, #tpu.memory_space<semaphore_mem>>) {add = true}
      %dma_wait3A_229 = arith.constant 0 : i32
      %dma_wait3A_230 = arith.constant 4 : i32
      %dma_wait3A_231 = arith.constant 4 : i32
      %dma_wait3A_232 = arith.constant 0 : i32
      %dma_wait3A_233 = arith.constant 0 : i32
      %dma_wait3A_234 = tpu.memref_slice %arg8[%dma_wait3A_231, %dma_wait3A_232, %dma_wait3A_233] : memref<5x40x144xf32, #tpu.memory_space<vmem>> -> memref<1x40x144xf32, #tpu.memory_space<vmem>>
      %dma_wait3A_235 = tpu.memref_squeeze %dma_wait3A_234 : memref<1x40x144xf32, #tpu.memory_space<vmem>> -> memref<40x144xf32, #tpu.memory_space<vmem>>
      %dma_wait3A_236 = arith.constant 0 : i32
      %dma_wait3A_237 = tpu.memref_slice %arg6[%dma_wait3A_229, %dma_wait3A_230, %dma_wait3A_236] : memref<2x5x40xi32, #tpu.memory_space<vmem>> -> memref<1x1x40xi32, #tpu.memory_space<vmem>>
      %dma_wait3A_238 = tpu.memref_squeeze %dma_wait3A_237 : memref<1x1x40xi32, #tpu.memory_space<vmem>> -> memref<40xi32, #tpu.memory_space<vmem>>
      %dma_wait3A_239 = arith.constant 0 : i32
      %dma_wait3A_240 = arith.constant 0 : i32
      %dma_wait3A_241 = tpu.memref_slice %arg2[%dma_wait3A_239, %dma_wait3A_240] : memref<10000x144xf32, #tpu.memory_space<hbm>> -> memref<10000x144xf32, #tpu.memory_space<hbm>>
      tpu.wait_indirect_dma semaphore(%arg10 : memref<!tpu.dma_semaphore, #tpu.memory_space<semaphore_mem>>) src(%dma_wait3A_241 : memref<10000x144xf32, #tpu.memory_space<hbm>>) dst(%dma_wait3A_235 : memref<40x144xf32, #tpu.memory_space<vmem>>)
      %dma_start3A_242 = arith.constant 4 : i32
      %dma_start3A_243 = arith.constant 0 : i32
      %dma_start3A_244 = arith.constant 4 : i32
      %dma_start3A_245 = arith.constant 0 : i32
      %dma_start3A_246 = arith.constant 0 : i32
      %dma_start3A_247 = tpu.memref_slice %arg8[%dma_start3A_242, %dma_start3A_245, %dma_start3A_246] : memref<5x40x144xf32, #tpu.memory_space<vmem>> -> memref<1x40x144xf32, #tpu.memory_space<vmem>>
      %dma_start3A_248 = tpu.memref_squeeze %dma_start3A_247 : memref<1x40x144xf32, #tpu.memory_space<vmem>> -> memref<40x144xf32, #tpu.memory_space<vmem>>
      %dma_start3A_249 = arith.constant 0 : i32
      %dma_start3A_250 = tpu.memref_slice %arg7[%dma_start3A_243, %dma_start3A_244, %dma_start3A_249] : memref<2x5x40xi32, #tpu.memory_space<vmem>> -> memref<1x1x40xi32, #tpu.memory_space<vmem>>
      %dma_start3A_251 = tpu.memref_squeeze %dma_start3A_250 : memref<1x1x40xi32, #tpu.memory_space<vmem>> -> memref<40xi32, #tpu.memory_space<vmem>>
      %dma_start3A_252 = arith.constant 0 : i32
      %dma_start3A_253 = arith.constant 0 : i32
      %dma_start3A_254 = tpu.memref_slice %arg9[%dma_start3A_252, %dma_start3A_253] : memref<10240x144xf32, #tpu.memory_space<vmem_shared>> -> memref<10240x144xf32, #tpu.memory_space<vmem_shared>>
      tpu.enqueue_indirect_dma source(%dma_start3A_248 : memref<40x144xf32, #tpu.memory_space<vmem>>) target(%dma_start3A_254 : memref<10240x144xf32, #tpu.memory_space<vmem_shared>>) offsets(%dma_start3A_251 : memref<40xi32, #tpu.memory_space<vmem>>) semaphore(%arg11 : memref<!tpu.dma_semaphore, #tpu.memory_space<semaphore_mem>>) {add = true}
      %dma_wait3A_255 = arith.constant 0 : i32
      %dma_wait3A_256 = arith.constant 0 : i32
      %dma_wait3A_257 = arith.constant 0 : i32
      %dma_wait3A_258 = arith.constant 0 : i32
      %dma_wait3A_259 = arith.constant 0 : i32
      %dma_wait3A_260 = tpu.memref_slice %arg8[%dma_wait3A_255, %dma_wait3A_258, %dma_wait3A_259] : memref<5x40x144xf32, #tpu.memory_space<vmem>> -> memref<1x40x144xf32, #tpu.memory_space<vmem>>
      %dma_wait3A_261 = tpu.memref_squeeze %dma_wait3A_260 : memref<1x40x144xf32, #tpu.memory_space<vmem>> -> memref<40x144xf32, #tpu.memory_space<vmem>>
      %dma_wait3A_262 = arith.constant 0 : i32
      %dma_wait3A_263 = tpu.memref_slice %arg7[%dma_wait3A_256, %dma_wait3A_257, %dma_wait3A_262] : memref<2x5x40xi32, #tpu.memory_space<vmem>> -> memref<1x1x40xi32, #tpu.memory_space<vmem>>
      %dma_wait3A_264 = tpu.memref_squeeze %dma_wait3A_263 : memref<1x1x40xi32, #tpu.memory_space<vmem>> -> memref<40xi32, #tpu.memory_space<vmem>>
      %dma_wait3A_265 = arith.constant 0 : i32
      %dma_wait3A_266 = arith.constant 0 : i32
      %dma_wait3A_267 = tpu.memref_slice %arg9[%dma_wait3A_265, %dma_wait3A_266] : memref<10240x144xf32, #tpu.memory_space<vmem_shared>> -> memref<10240x144xf32, #tpu.memory_space<vmem_shared>>
      tpu.wait_indirect_dma semaphore(%arg11 : memref<!tpu.dma_semaphore, #tpu.memory_space<semaphore_mem>>) src(%dma_wait3A_261 : memref<40x144xf32, #tpu.memory_space<vmem>>) dst(%dma_wait3A_267 : memref<10240x144xf32, #tpu.memory_space<vmem_shared>>)
      %dma_wait3A_268 = arith.constant 1 : i32
      %dma_wait3A_269 = arith.constant 0 : i32
      %dma_wait3A_270 = arith.constant 1 : i32
      %dma_wait3A_271 = arith.constant 0 : i32
      %dma_wait3A_272 = arith.constant 0 : i32
      %dma_wait3A_273 = tpu.memref_slice %arg8[%dma_wait3A_268, %dma_wait3A_271, %dma_wait3A_272] : memref<5x40x144xf32, #tpu.memory_space<vmem>> -> memref<1x40x144xf32, #tpu.memory_space<vmem>>
      %dma_wait3A_274 = tpu.memref_squeeze %dma_wait3A_273 : memref<1x40x144xf32, #tpu.memory_space<vmem>> -> memref<40x144xf32, #tpu.memory_space<vmem>>
      %dma_wait3A_275 = arith.constant 0 : i32
      %dma_wait3A_276 = tpu.memref_slice %arg7[%dma_wait3A_269, %dma_wait3A_270, %dma_wait3A_275] : memref<2x5x40xi32, #tpu.memory_space<vmem>> -> memref<1x1x40xi32, #tpu.memory_space<vmem>>
      %dma_wait3A_277 = tpu.memref_squeeze %dma_wait3A_276 : memref<1x1x40xi32, #tpu.memory_space<vmem>> -> memref<40xi32, #tpu.memory_space<vmem>>
      %dma_wait3A_278 = arith.constant 0 : i32
      %dma_wait3A_279 = arith.constant 0 : i32
      %dma_wait3A_280 = tpu.memref_slice %arg9[%dma_wait3A_278, %dma_wait3A_279] : memref<10240x144xf32, #tpu.memory_space<vmem_shared>> -> memref<10240x144xf32, #tpu.memory_space<vmem_shared>>
      tpu.wait_indirect_dma semaphore(%arg11 : memref<!tpu.dma_semaphore, #tpu.memory_space<semaphore_mem>>) src(%dma_wait3A_274 : memref<40x144xf32, #tpu.memory_space<vmem>>) dst(%dma_wait3A_280 : memref<10240x144xf32, #tpu.memory_space<vmem_shared>>)
      %dma_wait3A_281 = arith.constant 2 : i32
      %dma_wait3A_282 = arith.constant 0 : i32
      %dma_wait3A_283 = arith.constant 2 : i32
      %dma_wait3A_284 = arith.constant 0 : i32
      %dma_wait3A_285 = arith.constant 0 : i32
      %dma_wait3A_286 = tpu.memref_slice %arg8[%dma_wait3A_281, %dma_wait3A_284, %dma_wait3A_285] : memref<5x40x144xf32, #tpu.memory_space<vmem>> -> memref<1x40x144xf32, #tpu.memory_space<vmem>>
      %dma_wait3A_287 = tpu.memref_squeeze %dma_wait3A_286 : memref<1x40x144xf32, #tpu.memory_space<vmem>> -> memref<40x144xf32, #tpu.memory_space<vmem>>
      %dma_wait3A_288 = arith.constant 0 : i32
      %dma_wait3A_289 = tpu.memref_slice %arg7[%dma_wait3A_282, %dma_wait3A_283, %dma_wait3A_288] : memref<2x5x40xi32, #tpu.memory_space<vmem>> -> memref<1x1x40xi32, #tpu.memory_space<vmem>>
      %dma_wait3A_290 = tpu.memref_squeeze %dma_wait3A_289 : memref<1x1x40xi32, #tpu.memory_space<vmem>> -> memref<40xi32, #tpu.memory_space<vmem>>
      %dma_wait3A_291 = arith.constant 0 : i32
      %dma_wait3A_292 = arith.constant 0 : i32
      %dma_wait3A_293 = tpu.memref_slice %arg9[%dma_wait3A_291, %dma_wait3A_292] : memref<10240x144xf32, #tpu.memory_space<vmem_shared>> -> memref<10240x144xf32, #tpu.memory_space<vmem_shared>>
      tpu.wait_indirect_dma semaphore(%arg11 : memref<!tpu.dma_semaphore, #tpu.memory_space<semaphore_mem>>) src(%dma_wait3A_287 : memref<40x144xf32, #tpu.memory_space<vmem>>) dst(%dma_wait3A_293 : memref<10240x144xf32, #tpu.memory_space<vmem_shared>>)
      %dma_wait3A_294 = arith.constant 3 : i32
      %dma_wait3A_295 = arith.constant 0 : i32
      %dma_wait3A_296 = arith.constant 3 : i32
      %dma_wait3A_297 = arith.constant 0 : i32
      %dma_wait3A_298 = arith.constant 0 : i32
      %dma_wait3A_299 = tpu.memref_slice %arg8[%dma_wait3A_294, %dma_wait3A_297, %dma_wait3A_298] : memref<5x40x144xf32, #tpu.memory_space<vmem>> -> memref<1x40x144xf32, #tpu.memory_space<vmem>>
      %dma_wait3A_300 = tpu.memref_squeeze %dma_wait3A_299 : memref<1x40x144xf32, #tpu.memory_space<vmem>> -> memref<40x144xf32, #tpu.memory_space<vmem>>
      %dma_wait3A_301 = arith.constant 0 : i32
      %dma_wait3A_302 = tpu.memref_slice %arg7[%dma_wait3A_295, %dma_wait3A_296, %dma_wait3A_301] : memref<2x5x40xi32, #tpu.memory_space<vmem>> -> memref<1x1x40xi32, #tpu.memory_space<vmem>>
      %dma_wait3A_303 = tpu.memref_squeeze %dma_wait3A_302 : memref<1x1x40xi32, #tpu.memory_space<vmem>> -> memref<40xi32, #tpu.memory_space<vmem>>
      %dma_wait3A_304 = arith.constant 0 : i32
      %dma_wait3A_305 = arith.constant 0 : i32
      %dma_wait3A_306 = tpu.memref_slice %arg9[%dma_wait3A_304, %dma_wait3A_305] : memref<10240x144xf32, #tpu.memory_space<vmem_shared>> -> memref<10240x144xf32, #tpu.memory_space<vmem_shared>>
      tpu.wait_indirect_dma semaphore(%arg11 : memref<!tpu.dma_semaphore, #tpu.memory_space<semaphore_mem>>) src(%dma_wait3A_300 : memref<40x144xf32, #tpu.memory_space<vmem>>) dst(%dma_wait3A_306 : memref<10240x144xf32, #tpu.memory_space<vmem_shared>>)
      %dma_wait3A_307 = arith.constant 4 : i32
      %dma_wait3A_308 = arith.constant 0 : i32
      %dma_wait3A_309 = arith.constant 4 : i32
      %dma_wait3A_310 = arith.constant 0 : i32
      %dma_wait3A_311 = arith.constant 0 : i32
      %dma_wait3A_312 = tpu.memref_slice %arg8[%dma_wait3A_307, %dma_wait3A_310, %dma_wait3A_311] : memref<5x40x144xf32, #tpu.memory_space<vmem>> -> memref<1x40x144xf32, #tpu.memory_space<vmem>>
      %dma_wait3A_313 = tpu.memref_squeeze %dma_wait3A_312 : memref<1x40x144xf32, #tpu.memory_space<vmem>> -> memref<40x144xf32, #tpu.memory_space<vmem>>
      %dma_wait3A_314 = arith.constant 0 : i32
      %dma_wait3A_315 = tpu.memref_slice %arg7[%dma_wait3A_308, %dma_wait3A_309, %dma_wait3A_314] : memref<2x5x40xi32, #tpu.memory_space<vmem>> -> memref<1x1x40xi32, #tpu.memory_space<vmem>>
      %dma_wait3A_316 = tpu.memref_squeeze %dma_wait3A_315 : memref<1x1x40xi32, #tpu.memory_space<vmem>> -> memref<40xi32, #tpu.memory_space<vmem>>
      %dma_wait3A_317 = arith.constant 0 : i32
      %dma_wait3A_318 = arith.constant 0 : i32
      %dma_wait3A_319 = tpu.memref_slice %arg9[%dma_wait3A_317, %dma_wait3A_318] : memref<10240x144xf32, #tpu.memory_space<vmem_shared>> -> memref<10240x144xf32, #tpu.memory_space<vmem_shared>>
      tpu.wait_indirect_dma semaphore(%arg11 : memref<!tpu.dma_semaphore, #tpu.memory_space<semaphore_mem>>) src(%dma_wait3A_313 : memref<40x144xf32, #tpu.memory_space<vmem>>) dst(%dma_wait3A_319 : memref<10240x144xf32, #tpu.memory_space<vmem_shared>>)
      %dma_wait3A_320 = arith.constant 1 : i32
      %dma_wait3A_321 = arith.constant 0 : i32
      %dma_wait3A_322 = arith.constant 0 : i32
      %dma_wait3A_323 = tpu.memref_slice %arg6[%dma_wait3A_320, %dma_wait3A_321, %dma_wait3A_322] : memref<2x5x40xi32, #tpu.memory_space<vmem>> -> memref<1x5x40xi32, #tpu.memory_space<vmem>>
      %dma_wait3A_324 = tpu.memref_squeeze %dma_wait3A_323 : memref<1x5x40xi32, #tpu.memory_space<vmem>> -> memref<5x40xi32, #tpu.memory_space<vmem>>
      %dma_wait3A_325 = arith.constant 0 : i32
      %dma_wait3A_326 = tpu.memref_slice %arg3[%add3A_99, %dma_wait3A_325] : memref<8005x40xi32, #tpu.memory_space<hbm>> -> memref<5x40xi32, #tpu.memory_space<hbm>>
      %dma_wait3A_327 = arith.constant 0 : i32
      %dma_wait3A_328 = arith.constant 0 : i32
      %dma_wait3A_329 = tpu.memref_slice %arg6[%dma_wait3A_320, %dma_wait3A_327, %dma_wait3A_328] : memref<2x5x40xi32, #tpu.memory_space<vmem>> -> memref<1x5x40xi32, #tpu.memory_space<vmem>>
      %dma_wait3A_330 = tpu.memref_squeeze %dma_wait3A_329 : memref<1x5x40xi32, #tpu.memory_space<vmem>> -> memref<5x40xi32, #tpu.memory_space<vmem>>
      %dma_wait3A_331 = arith.constant 0 : i32
      %dma_wait3A_332 = tpu.memref_slice %arg3[%add3A_99, %dma_wait3A_331] : memref<8005x40xi32, #tpu.memory_space<hbm>> -> memref<5x40xi32, #tpu.memory_space<hbm>>
      tpu.wait_dma2 semaphore(%arg12 : memref<!tpu.dma_semaphore, #tpu.memory_space<semaphore_mem>>) src(%dma_wait3A_332 : memref<5x40xi32, #tpu.memory_space<hbm>>) dst(%dma_wait3A_330 : memref<5x40xi32, #tpu.memory_space<vmem>>)
      %dma_wait3A_333 = arith.constant 1 : i32
      %dma_wait3A_334 = arith.constant 0 : i32
      %dma_wait3A_335 = arith.constant 0 : i32
      %dma_wait3A_336 = tpu.memref_slice %arg7[%dma_wait3A_333, %dma_wait3A_334, %dma_wait3A_335] : memref<2x5x40xi32, #tpu.memory_space<vmem>> -> memref<1x5x40xi32, #tpu.memory_space<vmem>>
      %dma_wait3A_337 = tpu.memref_squeeze %dma_wait3A_336 : memref<1x5x40xi32, #tpu.memory_space<vmem>> -> memref<5x40xi32, #tpu.memory_space<vmem>>
      %dma_wait3A_338 = arith.constant 0 : i32
      %dma_wait3A_339 = tpu.memref_slice %arg4[%add3A_99, %dma_wait3A_338] : memref<8005x40xi32, #tpu.memory_space<hbm>> -> memref<5x40xi32, #tpu.memory_space<hbm>>
      %dma_wait3A_340 = arith.constant 0 : i32
      %dma_wait3A_341 = arith.constant 0 : i32
      %dma_wait3A_342 = tpu.memref_slice %arg7[%dma_wait3A_333, %dma_wait3A_340, %dma_wait3A_341] : memref<2x5x40xi32, #tpu.memory_space<vmem>> -> memref<1x5x40xi32, #tpu.memory_space<vmem>>
      %dma_wait3A_343 = tpu.memref_squeeze %dma_wait3A_342 : memref<1x5x40xi32, #tpu.memory_space<vmem>> -> memref<5x40xi32, #tpu.memory_space<vmem>>
      %dma_wait3A_344 = arith.constant 0 : i32
      %dma_wait3A_345 = tpu.memref_slice %arg4[%add3A_99, %dma_wait3A_344] : memref<8005x40xi32, #tpu.memory_space<hbm>> -> memref<5x40xi32, #tpu.memory_space<hbm>>
      tpu.wait_dma2 semaphore(%arg12 : memref<!tpu.dma_semaphore, #tpu.memory_space<semaphore_mem>>) src(%dma_wait3A_345 : memref<5x40xi32, #tpu.memory_space<hbm>>) dst(%dma_wait3A_343 : memref<5x40xi32, #tpu.memory_space<vmem>>)
      %mul3A_346 = arith.constant 2 : i32
      %mul3A_347 = arith.muli %mul3A_346, %add3A_28 : i32
      %add3A_348 = arith.constant 1 : i32
      %add3A_349 = arith.addi %mul3A_347, %add3A_348 : i32
      %dma_start3A_350 = arith.constant 1 : i32
      %dma_start3A_351 = arith.constant 0 : i32
      %dma_start3A_352 = arith.constant 0 : i32
      %dma_start3A_353 = arith.constant 0 : i32
      %dma_start3A_354 = arith.constant 0 : i32
      %dma_start3A_355 = tpu.memref_slice %arg8[%dma_start3A_352, %dma_start3A_353, %dma_start3A_354] : memref<5x40x144xf32, #tpu.memory_space<vmem>> -> memref<1x40x144xf32, #tpu.memory_space<vmem>>
      %dma_start3A_356 = tpu.memref_squeeze %dma_start3A_355 : memref<1x40x144xf32, #tpu.memory_space<vmem>> -> memref<40x144xf32, #tpu.memory_space<vmem>>
      %dma_start3A_357 = arith.constant 0 : i32
      %dma_start3A_358 = tpu.memref_slice %arg6[%dma_start3A_350, %dma_start3A_351, %dma_start3A_357] : memref<2x5x40xi32, #tpu.memory_space<vmem>> -> memref<1x1x40xi32, #tpu.memory_space<vmem>>
      %dma_start3A_359 = tpu.memref_squeeze %dma_start3A_358 : memref<1x1x40xi32, #tpu.memory_space<vmem>> -> memref<40xi32, #tpu.memory_space<vmem>>
      %dma_start3A_360 = arith.constant 0 : i32
      %dma_start3A_361 = arith.constant 0 : i32
      %dma_start3A_362 = tpu.memref_slice %arg2[%dma_start3A_360, %dma_start3A_361] : memref<10000x144xf32, #tpu.memory_space<hbm>> -> memref<10000x144xf32, #tpu.memory_space<hbm>>
      tpu.enqueue_indirect_dma source(%dma_start3A_362 : memref<10000x144xf32, #tpu.memory_space<hbm>>) target(%dma_start3A_356 : memref<40x144xf32, #tpu.memory_space<vmem>>) offsets(%dma_start3A_359 : memref<40xi32, #tpu.memory_space<vmem>>) semaphore(%arg10 : memref<!tpu.dma_semaphore, #tpu.memory_space<semaphore_mem>>)
      %dma_start3A_363 = arith.constant 1 : i32
      %dma_start3A_364 = arith.constant 1 : i32
      %dma_start3A_365 = arith.constant 1 : i32
      %dma_start3A_366 = arith.constant 0 : i32
      %dma_start3A_367 = arith.constant 0 : i32
      %dma_start3A_368 = tpu.memref_slice %arg8[%dma_start3A_365, %dma_start3A_366, %dma_start3A_367] : memref<5x40x144xf32, #tpu.memory_space<vmem>> -> memref<1x40x144xf32, #tpu.memory_space<vmem>>
      %dma_start3A_369 = tpu.memref_squeeze %dma_start3A_368 : memref<1x40x144xf32, #tpu.memory_space<vmem>> -> memref<40x144xf32, #tpu.memory_space<vmem>>
      %dma_start3A_370 = arith.constant 0 : i32
      %dma_start3A_371 = tpu.memref_slice %arg6[%dma_start3A_363, %dma_start3A_364, %dma_start3A_370] : memref<2x5x40xi32, #tpu.memory_space<vmem>> -> memref<1x1x40xi32, #tpu.memory_space<vmem>>
      %dma_start3A_372 = tpu.memref_squeeze %dma_start3A_371 : memref<1x1x40xi32, #tpu.memory_space<vmem>> -> memref<40xi32, #tpu.memory_space<vmem>>
      %dma_start3A_373 = arith.constant 0 : i32
      %dma_start3A_374 = arith.constant 0 : i32
      %dma_start3A_375 = tpu.memref_slice %arg2[%dma_start3A_373, %dma_start3A_374] : memref<10000x144xf32, #tpu.memory_space<hbm>> -> memref<10000x144xf32, #tpu.memory_space<hbm>>
      tpu.enqueue_indirect_dma source(%dma_start3A_375 : memref<10000x144xf32, #tpu.memory_space<hbm>>) target(%dma_start3A_369 : memref<40x144xf32, #tpu.memory_space<vmem>>) offsets(%dma_start3A_372 : memref<40xi32, #tpu.memory_space<vmem>>) semaphore(%arg10 : memref<!tpu.dma_semaphore, #tpu.memory_space<semaphore_mem>>)
      %dma_start3A_376 = arith.constant 1 : i32
      %dma_start3A_377 = arith.constant 2 : i32
      %dma_start3A_378 = arith.constant 2 : i32
      %dma_start3A_379 = arith.constant 0 : i32
      %dma_start3A_380 = arith.constant 0 : i32
      %dma_start3A_381 = tpu.memref_slice %arg8[%dma_start3A_378, %dma_start3A_379, %dma_start3A_380] : memref<5x40x144xf32, #tpu.memory_space<vmem>> -> memref<1x40x144xf32, #tpu.memory_space<vmem>>
      %dma_start3A_382 = tpu.memref_squeeze %dma_start3A_381 : memref<1x40x144xf32, #tpu.memory_space<vmem>> -> memref<40x144xf32, #tpu.memory_space<vmem>>
      %dma_start3A_383 = arith.constant 0 : i32
      %dma_start3A_384 = tpu.memref_slice %arg6[%dma_start3A_376, %dma_start3A_377, %dma_start3A_383] : memref<2x5x40xi32, #tpu.memory_space<vmem>> -> memref<1x1x40xi32, #tpu.memory_space<vmem>>
      %dma_start3A_385 = tpu.memref_squeeze %dma_start3A_384 : memref<1x1x40xi32, #tpu.memory_space<vmem>> -> memref<40xi32, #tpu.memory_space<vmem>>
      %dma_start3A_386 = arith.constant 0 : i32
      %dma_start3A_387 = arith.constant 0 : i32
      %dma_start3A_388 = tpu.memref_slice %arg2[%dma_start3A_386, %dma_start3A_387] : memref<10000x144xf32, #tpu.memory_space<hbm>> -> memref<10000x144xf32, #tpu.memory_space<hbm>>
      tpu.enqueue_indirect_dma source(%dma_start3A_388 : memref<10000x144xf32, #tpu.memory_space<hbm>>) target(%dma_start3A_382 : memref<40x144xf32, #tpu.memory_space<vmem>>) offsets(%dma_start3A_385 : memref<40xi32, #tpu.memory_space<vmem>>) semaphore(%arg10 : memref<!tpu.dma_semaphore, #tpu.memory_space<semaphore_mem>>)
      %dma_start3A_389 = arith.constant 1 : i32
      %dma_start3A_390 = arith.constant 3 : i32
      %dma_start3A_391 = arith.constant 3 : i32
      %dma_start3A_392 = arith.constant 0 : i32
      %dma_start3A_393 = arith.constant 0 : i32
      %dma_start3A_394 = tpu.memref_slice %arg8[%dma_start3A_391, %dma_start3A_392, %dma_start3A_393] : memref<5x40x144xf32, #tpu.memory_space<vmem>> -> memref<1x40x144xf32, #tpu.memory_space<vmem>>
      %dma_start3A_395 = tpu.memref_squeeze %dma_start3A_394 : memref<1x40x144xf32, #tpu.memory_space<vmem>> -> memref<40x144xf32, #tpu.memory_space<vmem>>
      %dma_start3A_396 = arith.constant 0 : i32
      %dma_start3A_397 = tpu.memref_slice %arg6[%dma_start3A_389, %dma_start3A_390, %dma_start3A_396] : memref<2x5x40xi32, #tpu.memory_space<vmem>> -> memref<1x1x40xi32, #tpu.memory_space<vmem>>
      %dma_start3A_398 = tpu.memref_squeeze %dma_start3A_397 : memref<1x1x40xi32, #tpu.memory_space<vmem>> -> memref<40xi32, #tpu.memory_space<vmem>>
      %dma_start3A_399 = arith.constant 0 : i32
      %dma_start3A_400 = arith.constant 0 : i32
      %dma_start3A_401 = tpu.memref_slice %arg2[%dma_start3A_399, %dma_start3A_400] : memref<10000x144xf32, #tpu.memory_space<hbm>> -> memref<10000x144xf32, #tpu.memory_space<hbm>>
      tpu.enqueue_indirect_dma source(%dma_start3A_401 : memref<10000x144xf32, #tpu.memory_space<hbm>>) target(%dma_start3A_395 : memref<40x144xf32, #tpu.memory_space<vmem>>) offsets(%dma_start3A_398 : memref<40xi32, #tpu.memory_space<vmem>>) semaphore(%arg10 : memref<!tpu.dma_semaphore, #tpu.memory_space<semaphore_mem>>)
      %dma_start3A_402 = arith.constant 1 : i32
      %dma_start3A_403 = arith.constant 4 : i32
      %dma_start3A_404 = arith.constant 4 : i32
      %dma_start3A_405 = arith.constant 0 : i32
      %dma_start3A_406 = arith.constant 0 : i32
      %dma_start3A_407 = tpu.memref_slice %arg8[%dma_start3A_404, %dma_start3A_405, %dma_start3A_406] : memref<5x40x144xf32, #tpu.memory_space<vmem>> -> memref<1x40x144xf32, #tpu.memory_space<vmem>>
      %dma_start3A_408 = tpu.memref_squeeze %dma_start3A_407 : memref<1x40x144xf32, #tpu.memory_space<vmem>> -> memref<40x144xf32, #tpu.memory_space<vmem>>
      %dma_start3A_409 = arith.constant 0 : i32
      %dma_start3A_410 = tpu.memref_slice %arg6[%dma_start3A_402, %dma_start3A_403, %dma_start3A_409] : memref<2x5x40xi32, #tpu.memory_space<vmem>> -> memref<1x1x40xi32, #tpu.memory_space<vmem>>
      %dma_start3A_411 = tpu.memref_squeeze %dma_start3A_410 : memref<1x1x40xi32, #tpu.memory_space<vmem>> -> memref<40xi32, #tpu.memory_space<vmem>>
      %dma_start3A_412 = arith.constant 0 : i32
      %dma_start3A_413 = arith.constant 0 : i32
      %dma_start3A_414 = tpu.memref_slice %arg2[%dma_start3A_412, %dma_start3A_413] : memref<10000x144xf32, #tpu.memory_space<hbm>> -> memref<10000x144xf32, #tpu.memory_space<hbm>>
      tpu.enqueue_indirect_dma source(%dma_start3A_414 : memref<10000x144xf32, #tpu.memory_space<hbm>>) target(%dma_start3A_408 : memref<40x144xf32, #tpu.memory_space<vmem>>) offsets(%dma_start3A_411 : memref<40xi32, #tpu.memory_space<vmem>>) semaphore(%arg10 : memref<!tpu.dma_semaphore, #tpu.memory_space<semaphore_mem>>)
      %add3A_415 = arith.constant 1 : i32
      %add3A_416 = arith.addi %add3A_349, %add3A_415 : i32
      %mul3A_417 = arith.constant 5 : i32
      %mul3A_418 = arith.muli %add3A_416, %mul3A_417 : i32
      %add3A_419 = arith.addi %mul3A_14, %mul3A_418 : i32
      %dma_start3A_420 = arith.constant 0 : i32
      %dma_start3A_421 = arith.constant 0 : i32
      %dma_start3A_422 = arith.constant 0 : i32
      %dma_start3A_423 = tpu.memref_slice %arg6[%dma_start3A_420, %dma_start3A_421, %dma_start3A_422] : memref<2x5x40xi32, #tpu.memory_space<vmem>> -> memref<1x5x40xi32, #tpu.memory_space<vmem>>
      %dma_start3A_424 = tpu.memref_squeeze %dma_start3A_423 : memref<1x5x40xi32, #tpu.memory_space<vmem>> -> memref<5x40xi32, #tpu.memory_space<vmem>>
      %dma_start3A_425 = arith.constant 0 : i32
      %dma_start3A_426 = tpu.memref_slice %arg3[%add3A_419, %dma_start3A_425] : memref<8005x40xi32, #tpu.memory_space<hbm>> -> memref<5x40xi32, #tpu.memory_space<hbm>>
      %dma_start3A_427 = arith.constant 0 : i32
      %dma_start3A_428 = arith.constant 0 : i32
      %dma_start3A_429 = tpu.memref_slice %arg6[%dma_start3A_420, %dma_start3A_427, %dma_start3A_428] : memref<2x5x40xi32, #tpu.memory_space<vmem>> -> memref<1x5x40xi32, #tpu.memory_space<vmem>>
      %dma_start3A_430 = tpu.memref_squeeze %dma_start3A_429 : memref<1x5x40xi32, #tpu.memory_space<vmem>> -> memref<5x40xi32, #tpu.memory_space<vmem>>
      %dma_start3A_431 = arith.constant 0 : i32
      %dma_start3A_432 = tpu.memref_slice %arg3[%add3A_419, %dma_start3A_431] : memref<8005x40xi32, #tpu.memory_space<hbm>> -> memref<5x40xi32, #tpu.memory_space<hbm>>
      tpu.enqueue_dma source(%dma_start3A_432 : memref<5x40xi32, #tpu.memory_space<hbm>>) target(%dma_start3A_430 : memref<5x40xi32, #tpu.memory_space<vmem>>) target_semaphore(%arg12 : memref<!tpu.dma_semaphore, #tpu.memory_space<semaphore_mem>>)
      %dma_start3A_433 = arith.constant 0 : i32
      %dma_start3A_434 = arith.constant 0 : i32
      %dma_start3A_435 = arith.constant 0 : i32
      %dma_start3A_436 = tpu.memref_slice %arg7[%dma_start3A_433, %dma_start3A_434, %dma_start3A_435] : memref<2x5x40xi32, #tpu.memory_space<vmem>> -> memref<1x5x40xi32, #tpu.memory_space<vmem>>
      %dma_start3A_437 = tpu.memref_squeeze %dma_start3A_436 : memref<1x5x40xi32, #tpu.memory_space<vmem>> -> memref<5x40xi32, #tpu.memory_space<vmem>>
      %dma_start3A_438 = arith.constant 0 : i32
      %dma_start3A_439 = tpu.memref_slice %arg4[%add3A_419, %dma_start3A_438] : memref<8005x40xi32, #tpu.memory_space<hbm>> -> memref<5x40xi32, #tpu.memory_space<hbm>>
      %dma_start3A_440 = arith.constant 0 : i32
      %dma_start3A_441 = arith.constant 0 : i32
      %dma_start3A_442 = tpu.memref_slice %arg7[%dma_start3A_433, %dma_start3A_440, %dma_start3A_441] : memref<2x5x40xi32, #tpu.memory_space<vmem>> -> memref<1x5x40xi32, #tpu.memory_space<vmem>>
      %dma_start3A_443 = tpu.memref_squeeze %dma_start3A_442 : memref<1x5x40xi32, #tpu.memory_space<vmem>> -> memref<5x40xi32, #tpu.memory_space<vmem>>
      %dma_start3A_444 = arith.constant 0 : i32
      %dma_start3A_445 = tpu.memref_slice %arg4[%add3A_419, %dma_start3A_444] : memref<8005x40xi32, #tpu.memory_space<hbm>> -> memref<5x40xi32, #tpu.memory_space<hbm>>
      tpu.enqueue_dma source(%dma_start3A_445 : memref<5x40xi32, #tpu.memory_space<hbm>>) target(%dma_start3A_443 : memref<5x40xi32, #tpu.memory_space<vmem>>) target_semaphore(%arg12 : memref<!tpu.dma_semaphore, #tpu.memory_space<semaphore_mem>>)
      %dma_wait3A_446 = arith.constant 1 : i32
      %dma_wait3A_447 = arith.constant 0 : i32
      %dma_wait3A_448 = arith.constant 0 : i32
      %dma_wait3A_449 = arith.constant 0 : i32
      %dma_wait3A_450 = arith.constant 0 : i32
      %dma_wait3A_451 = tpu.memref_slice %arg8[%dma_wait3A_448, %dma_wait3A_449, %dma_wait3A_450] : memref<5x40x144xf32, #tpu.memory_space<vmem>> -> memref<1x40x144xf32, #tpu.memory_space<vmem>>
      %dma_wait3A_452 = tpu.memref_squeeze %dma_wait3A_451 : memref<1x40x144xf32, #tpu.memory_space<vmem>> -> memref<40x144xf32, #tpu.memory_space<vmem>>
      %dma_wait3A_453 = arith.constant 0 : i32
      %dma_wait3A_454 = tpu.memref_slice %arg6[%dma_wait3A_446, %dma_wait3A_447, %dma_wait3A_453] : memref<2x5x40xi32, #tpu.memory_space<vmem>> -> memref<1x1x40xi32, #tpu.memory_space<vmem>>
      %dma_wait3A_455 = tpu.memref_squeeze %dma_wait3A_454 : memref<1x1x40xi32, #tpu.memory_space<vmem>> -> memref<40xi32, #tpu.memory_space<vmem>>
      %dma_wait3A_456 = arith.constant 0 : i32
      %dma_wait3A_457 = arith.constant 0 : i32
      %dma_wait3A_458 = tpu.memref_slice %arg2[%dma_wait3A_456, %dma_wait3A_457] : memref<10000x144xf32, #tpu.memory_space<hbm>> -> memref<10000x144xf32, #tpu.memory_space<hbm>>
      tpu.wait_indirect_dma semaphore(%arg10 : memref<!tpu.dma_semaphore, #tpu.memory_space<semaphore_mem>>) src(%dma_wait3A_458 : memref<10000x144xf32, #tpu.memory_space<hbm>>) dst(%dma_wait3A_452 : memref<40x144xf32, #tpu.memory_space<vmem>>)
      %dma_start3A_459 = arith.constant 0 : i32
      %dma_start3A_460 = arith.constant 1 : i32
      %dma_start3A_461 = arith.constant 0 : i32
      %dma_start3A_462 = arith.constant 0 : i32
      %dma_start3A_463 = arith.constant 0 : i32
      %dma_start3A_464 = tpu.memref_slice %arg8[%dma_start3A_459, %dma_start3A_462, %dma_start3A_463] : memref<5x40x144xf32, #tpu.memory_space<vmem>> -> memref<1x40x144xf32, #tpu.memory_space<vmem>>
      %dma_start3A_465 = tpu.memref_squeeze %dma_start3A_464 : memref<1x40x144xf32, #tpu.memory_space<vmem>> -> memref<40x144xf32, #tpu.memory_space<vmem>>
      %dma_start3A_466 = arith.constant 0 : i32
      %dma_start3A_467 = tpu.memref_slice %arg7[%dma_start3A_460, %dma_start3A_461, %dma_start3A_466] : memref<2x5x40xi32, #tpu.memory_space<vmem>> -> memref<1x1x40xi32, #tpu.memory_space<vmem>>
      %dma_start3A_468 = tpu.memref_squeeze %dma_start3A_467 : memref<1x1x40xi32, #tpu.memory_space<vmem>> -> memref<40xi32, #tpu.memory_space<vmem>>
      %dma_start3A_469 = arith.constant 0 : i32
      %dma_start3A_470 = arith.constant 0 : i32
      %dma_start3A_471 = tpu.memref_slice %arg9[%dma_start3A_469, %dma_start3A_470] : memref<10240x144xf32, #tpu.memory_space<vmem_shared>> -> memref<10240x144xf32, #tpu.memory_space<vmem_shared>>
      tpu.enqueue_indirect_dma source(%dma_start3A_465 : memref<40x144xf32, #tpu.memory_space<vmem>>) target(%dma_start3A_471 : memref<10240x144xf32, #tpu.memory_space<vmem_shared>>) offsets(%dma_start3A_468 : memref<40xi32, #tpu.memory_space<vmem>>) semaphore(%arg11 : memref<!tpu.dma_semaphore, #tpu.memory_space<semaphore_mem>>) {add = true}
      %dma_wait3A_472 = arith.constant 1 : i32
      %dma_wait3A_473 = arith.constant 1 : i32
      %dma_wait3A_474 = arith.constant 1 : i32
      %dma_wait3A_475 = arith.constant 0 : i32
      %dma_wait3A_476 = arith.constant 0 : i32
      %dma_wait3A_477 = tpu.memref_slice %arg8[%dma_wait3A_474, %dma_wait3A_475, %dma_wait3A_476] : memref<5x40x144xf32, #tpu.memory_space<vmem>> -> memref<1x40x144xf32, #tpu.memory_space<vmem>>
      %dma_wait3A_478 = tpu.memref_squeeze %dma_wait3A_477 : memref<1x40x144xf32, #tpu.memory_space<vmem>> -> memref<40x144xf32, #tpu.memory_space<vmem>>
      %dma_wait3A_479 = arith.constant 0 : i32
      %dma_wait3A_480 = tpu.memref_slice %arg6[%dma_wait3A_472, %dma_wait3A_473, %dma_wait3A_479] : memref<2x5x40xi32, #tpu.memory_space<vmem>> -> memref<1x1x40xi32, #tpu.memory_space<vmem>>
      %dma_wait3A_481 = tpu.memref_squeeze %dma_wait3A_480 : memref<1x1x40xi32, #tpu.memory_space<vmem>> -> memref<40xi32, #tpu.memory_space<vmem>>
      %dma_wait3A_482 = arith.constant 0 : i32
      %dma_wait3A_483 = arith.constant 0 : i32
      %dma_wait3A_484 = tpu.memref_slice %arg2[%dma_wait3A_482, %dma_wait3A_483] : memref<10000x144xf32, #tpu.memory_space<hbm>> -> memref<10000x144xf32, #tpu.memory_space<hbm>>
      tpu.wait_indirect_dma semaphore(%arg10 : memref<!tpu.dma_semaphore, #tpu.memory_space<semaphore_mem>>) src(%dma_wait3A_484 : memref<10000x144xf32, #tpu.memory_space<hbm>>) dst(%dma_wait3A_478 : memref<40x144xf32, #tpu.memory_space<vmem>>)
      %dma_start3A_485 = arith.constant 1 : i32
      %dma_start3A_486 = arith.constant 1 : i32
      %dma_start3A_487 = arith.constant 1 : i32
      %dma_start3A_488 = arith.constant 0 : i32
      %dma_start3A_489 = arith.constant 0 : i32
      %dma_start3A_490 = tpu.memref_slice %arg8[%dma_start3A_485, %dma_start3A_488, %dma_start3A_489] : memref<5x40x144xf32, #tpu.memory_space<vmem>> -> memref<1x40x144xf32, #tpu.memory_space<vmem>>
      %dma_start3A_491 = tpu.memref_squeeze %dma_start3A_490 : memref<1x40x144xf32, #tpu.memory_space<vmem>> -> memref<40x144xf32, #tpu.memory_space<vmem>>
      %dma_start3A_492 = arith.constant 0 : i32
      %dma_start3A_493 = tpu.memref_slice %arg7[%dma_start3A_486, %dma_start3A_487, %dma_start3A_492] : memref<2x5x40xi32, #tpu.memory_space<vmem>> -> memref<1x1x40xi32, #tpu.memory_space<vmem>>
      %dma_start3A_494 = tpu.memref_squeeze %dma_start3A_493 : memref<1x1x40xi32, #tpu.memory_space<vmem>> -> memref<40xi32, #tpu.memory_space<vmem>>
      %dma_start3A_495 = arith.constant 0 : i32
      %dma_start3A_496 = arith.constant 0 : i32
      %dma_start3A_497 = tpu.memref_slice %arg9[%dma_start3A_495, %dma_start3A_496] : memref<10240x144xf32, #tpu.memory_space<vmem_shared>> -> memref<10240x144xf32, #tpu.memory_space<vmem_shared>>
      tpu.enqueue_indirect_dma source(%dma_start3A_491 : memref<40x144xf32, #tpu.memory_space<vmem>>) target(%dma_start3A_497 : memref<10240x144xf32, #tpu.memory_space<vmem_shared>>) offsets(%dma_start3A_494 : memref<40xi32, #tpu.memory_space<vmem>>) semaphore(%arg11 : memref<!tpu.dma_semaphore, #tpu.memory_space<semaphore_mem>>) {add = true}
      %dma_wait3A_498 = arith.constant 1 : i32
      %dma_wait3A_499 = arith.constant 2 : i32
      %dma_wait3A_500 = arith.constant 2 : i32
      %dma_wait3A_501 = arith.constant 0 : i32
      %dma_wait3A_502 = arith.constant 0 : i32
      %dma_wait3A_503 = tpu.memref_slice %arg8[%dma_wait3A_500, %dma_wait3A_501, %dma_wait3A_502] : memref<5x40x144xf32, #tpu.memory_space<vmem>> -> memref<1x40x144xf32, #tpu.memory_space<vmem>>
      %dma_wait3A_504 = tpu.memref_squeeze %dma_wait3A_503 : memref<1x40x144xf32, #tpu.memory_space<vmem>> -> memref<40x144xf32, #tpu.memory_space<vmem>>
      %dma_wait3A_505 = arith.constant 0 : i32
      %dma_wait3A_506 = tpu.memref_slice %arg6[%dma_wait3A_498, %dma_wait3A_499, %dma_wait3A_505] : memref<2x5x40xi32, #tpu.memory_space<vmem>> -> memref<1x1x40xi32, #tpu.memory_space<vmem>>
      %dma_wait3A_507 = tpu.memref_squeeze %dma_wait3A_506 : memref<1x1x40xi32, #tpu.memory_space<vmem>> -> memref<40xi32, #tpu.memory_space<vmem>>
      %dma_wait3A_508 = arith.constant 0 : i32
      %dma_wait3A_509 = arith.constant 0 : i32
      %dma_wait3A_510 = tpu.memref_slice %arg2[%dma_wait3A_508, %dma_wait3A_509] : memref<10000x144xf32, #tpu.memory_space<hbm>> -> memref<10000x144xf32, #tpu.memory_space<hbm>>
      tpu.wait_indirect_dma semaphore(%arg10 : memref<!tpu.dma_semaphore, #tpu.memory_space<semaphore_mem>>) src(%dma_wait3A_510 : memref<10000x144xf32, #tpu.memory_space<hbm>>) dst(%dma_wait3A_504 : memref<40x144xf32, #tpu.memory_space<vmem>>)
      %dma_start3A_511 = arith.constant 2 : i32
      %dma_start3A_512 = arith.constant 1 : i32
      %dma_start3A_513 = arith.constant 2 : i32
      %dma_start3A_514 = arith.constant 0 : i32
      %dma_start3A_515 = arith.constant 0 : i32
      %dma_start3A_516 = tpu.memref_slice %arg8[%dma_start3A_511, %dma_start3A_514, %dma_start3A_515] : memref<5x40x144xf32, #tpu.memory_space<vmem>> -> memref<1x40x144xf32, #tpu.memory_space<vmem>>
      %dma_start3A_517 = tpu.memref_squeeze %dma_start3A_516 : memref<1x40x144xf32, #tpu.memory_space<vmem>> -> memref<40x144xf32, #tpu.memory_space<vmem>>
      %dma_start3A_518 = arith.constant 0 : i32
      %dma_start3A_519 = tpu.memref_slice %arg7[%dma_start3A_512, %dma_start3A_513, %dma_start3A_518] : memref<2x5x40xi32, #tpu.memory_space<vmem>> -> memref<1x1x40xi32, #tpu.memory_space<vmem>>
      %dma_start3A_520 = tpu.memref_squeeze %dma_start3A_519 : memref<1x1x40xi32, #tpu.memory_space<vmem>> -> memref<40xi32, #tpu.memory_space<vmem>>
      %dma_start3A_521 = arith.constant 0 : i32
      %dma_start3A_522 = arith.constant 0 : i32
      %dma_start3A_523 = tpu.memref_slice %arg9[%dma_start3A_521, %dma_start3A_522] : memref<10240x144xf32, #tpu.memory_space<vmem_shared>> -> memref<10240x144xf32, #tpu.memory_space<vmem_shared>>
      tpu.enqueue_indirect_dma source(%dma_start3A_517 : memref<40x144xf32, #tpu.memory_space<vmem>>) target(%dma_start3A_523 : memref<10240x144xf32, #tpu.memory_space<vmem_shared>>) offsets(%dma_start3A_520 : memref<40xi32, #tpu.memory_space<vmem>>) semaphore(%arg11 : memref<!tpu.dma_semaphore, #tpu.memory_space<semaphore_mem>>) {add = true}
      %dma_wait3A_524 = arith.constant 1 : i32
      %dma_wait3A_525 = arith.constant 3 : i32
      %dma_wait3A_526 = arith.constant 3 : i32
      %dma_wait3A_527 = arith.constant 0 : i32
      %dma_wait3A_528 = arith.constant 0 : i32
      %dma_wait3A_529 = tpu.memref_slice %arg8[%dma_wait3A_526, %dma_wait3A_527, %dma_wait3A_528] : memref<5x40x144xf32, #tpu.memory_space<vmem>> -> memref<1x40x144xf32, #tpu.memory_space<vmem>>
      %dma_wait3A_530 = tpu.memref_squeeze %dma_wait3A_529 : memref<1x40x144xf32, #tpu.memory_space<vmem>> -> memref<40x144xf32, #tpu.memory_space<vmem>>
      %dma_wait3A_531 = arith.constant 0 : i32
      %dma_wait3A_532 = tpu.memref_slice %arg6[%dma_wait3A_524, %dma_wait3A_525, %dma_wait3A_531] : memref<2x5x40xi32, #tpu.memory_space<vmem>> -> memref<1x1x40xi32, #tpu.memory_space<vmem>>
      %dma_wait3A_533 = tpu.memref_squeeze %dma_wait3A_532 : memref<1x1x40xi32, #tpu.memory_space<vmem>> -> memref<40xi32, #tpu.memory_space<vmem>>
      %dma_wait3A_534 = arith.constant 0 : i32
      %dma_wait3A_535 = arith.constant 0 : i32
      %dma_wait3A_536 = tpu.memref_slice %arg2[%dma_wait3A_534, %dma_wait3A_535] : memref<10000x144xf32, #tpu.memory_space<hbm>> -> memref<10000x144xf32, #tpu.memory_space<hbm>>
      tpu.wait_indirect_dma semaphore(%arg10 : memref<!tpu.dma_semaphore, #tpu.memory_space<semaphore_mem>>) src(%dma_wait3A_536 : memref<10000x144xf32, #tpu.memory_space<hbm>>) dst(%dma_wait3A_530 : memref<40x144xf32, #tpu.memory_space<vmem>>)
      %dma_start3A_537 = arith.constant 3 : i32
      %dma_start3A_538 = arith.constant 1 : i32
      %dma_start3A_539 = arith.constant 3 : i32
      %dma_start3A_540 = arith.constant 0 : i32
      %dma_start3A_541 = arith.constant 0 : i32
      %dma_start3A_542 = tpu.memref_slice %arg8[%dma_start3A_537, %dma_start3A_540, %dma_start3A_541] : memref<5x40x144xf32, #tpu.memory_space<vmem>> -> memref<1x40x144xf32, #tpu.memory_space<vmem>>
      %dma_start3A_543 = tpu.memref_squeeze %dma_start3A_542 : memref<1x40x144xf32, #tpu.memory_space<vmem>> -> memref<40x144xf32, #tpu.memory_space<vmem>>
      %dma_start3A_544 = arith.constant 0 : i32
      %dma_start3A_545 = tpu.memref_slice %arg7[%dma_start3A_538, %dma_start3A_539, %dma_start3A_544] : memref<2x5x40xi32, #tpu.memory_space<vmem>> -> memref<1x1x40xi32, #tpu.memory_space<vmem>>
      %dma_start3A_546 = tpu.memref_squeeze %dma_start3A_545 : memref<1x1x40xi32, #tpu.memory_space<vmem>> -> memref<40xi32, #tpu.memory_space<vmem>>
      %dma_start3A_547 = arith.constant 0 : i32
      %dma_start3A_548 = arith.constant 0 : i32
      %dma_start3A_549 = tpu.memref_slice %arg9[%dma_start3A_547, %dma_start3A_548] : memref<10240x144xf32, #tpu.memory_space<vmem_shared>> -> memref<10240x144xf32, #tpu.memory_space<vmem_shared>>
      tpu.enqueue_indirect_dma source(%dma_start3A_543 : memref<40x144xf32, #tpu.memory_space<vmem>>) target(%dma_start3A_549 : memref<10240x144xf32, #tpu.memory_space<vmem_shared>>) offsets(%dma_start3A_546 : memref<40xi32, #tpu.memory_space<vmem>>) semaphore(%arg11 : memref<!tpu.dma_semaphore, #tpu.memory_space<semaphore_mem>>) {add = true}
      %dma_wait3A_550 = arith.constant 1 : i32
      %dma_wait3A_551 = arith.constant 4 : i32
      %dma_wait3A_552 = arith.constant 4 : i32
      %dma_wait3A_553 = arith.constant 0 : i32
      %dma_wait3A_554 = arith.constant 0 : i32
      %dma_wait3A_555 = tpu.memref_slice %arg8[%dma_wait3A_552, %dma_wait3A_553, %dma_wait3A_554] : memref<5x40x144xf32, #tpu.memory_space<vmem>> -> memref<1x40x144xf32, #tpu.memory_space<vmem>>
      %dma_wait3A_556 = tpu.memref_squeeze %dma_wait3A_555 : memref<1x40x144xf32, #tpu.memory_space<vmem>> -> memref<40x144xf32, #tpu.memory_space<vmem>>
      %dma_wait3A_557 = arith.constant 0 : i32
      %dma_wait3A_558 = tpu.memref_slice %arg6[%dma_wait3A_550, %dma_wait3A_551, %dma_wait3A_557] : memref<2x5x40xi32, #tpu.memory_space<vmem>> -> memref<1x1x40xi32, #tpu.memory_space<vmem>>
      %dma_wait3A_559 = tpu.memref_squeeze %dma_wait3A_558 : memref<1x1x40xi32, #tpu.memory_space<vmem>> -> memref<40xi32, #tpu.memory_space<vmem>>
      %dma_wait3A_560 = arith.constant 0 : i32
      %dma_wait3A_561 = arith.constant 0 : i32
      %dma_wait3A_562 = tpu.memref_slice %arg2[%dma_wait3A_560, %dma_wait3A_561] : memref<10000x144xf32, #tpu.memory_space<hbm>> -> memref<10000x144xf32, #tpu.memory_space<hbm>>
      tpu.wait_indirect_dma semaphore(%arg10 : memref<!tpu.dma_semaphore, #tpu.memory_space<semaphore_mem>>) src(%dma_wait3A_562 : memref<10000x144xf32, #tpu.memory_space<hbm>>) dst(%dma_wait3A_556 : memref<40x144xf32, #tpu.memory_space<vmem>>)
      %dma_start3A_563 = arith.constant 4 : i32
      %dma_start3A_564 = arith.constant 1 : i32
      %dma_start3A_565 = arith.constant 4 : i32
      %dma_start3A_566 = arith.constant 0 : i32
      %dma_start3A_567 = arith.constant 0 : i32
      %dma_start3A_568 = tpu.memref_slice %arg8[%dma_start3A_563, %dma_start3A_566, %dma_start3A_567] : memref<5x40x144xf32, #tpu.memory_space<vmem>> -> memref<1x40x144xf32, #tpu.memory_space<vmem>>
      %dma_start3A_569 = tpu.memref_squeeze %dma_start3A_568 : memref<1x40x144xf32, #tpu.memory_space<vmem>> -> memref<40x144xf32, #tpu.memory_space<vmem>>
      %dma_start3A_570 = arith.constant 0 : i32
      %dma_start3A_571 = tpu.memref_slice %arg7[%dma_start3A_564, %dma_start3A_565, %dma_start3A_570] : memref<2x5x40xi32, #tpu.memory_space<vmem>> -> memref<1x1x40xi32, #tpu.memory_space<vmem>>
      %dma_start3A_572 = tpu.memref_squeeze %dma_start3A_571 : memref<1x1x40xi32, #tpu.memory_space<vmem>> -> memref<40xi32, #tpu.memory_space<vmem>>
      %dma_start3A_573 = arith.constant 0 : i32
      %dma_start3A_574 = arith.constant 0 : i32
      %dma_start3A_575 = tpu.memref_slice %arg9[%dma_start3A_573, %dma_start3A_574] : memref<10240x144xf32, #tpu.memory_space<vmem_shared>> -> memref<10240x144xf32, #tpu.memory_space<vmem_shared>>
      tpu.enqueue_indirect_dma source(%dma_start3A_569 : memref<40x144xf32, #tpu.memory_space<vmem>>) target(%dma_start3A_575 : memref<10240x144xf32, #tpu.memory_space<vmem_shared>>) offsets(%dma_start3A_572 : memref<40xi32, #tpu.memory_space<vmem>>) semaphore(%arg11 : memref<!tpu.dma_semaphore, #tpu.memory_space<semaphore_mem>>) {add = true}
      %dma_wait3A_576 = arith.constant 0 : i32
      %dma_wait3A_577 = arith.constant 1 : i32
      %dma_wait3A_578 = arith.constant 0 : i32
      %dma_wait3A_579 = arith.constant 0 : i32
      %dma_wait3A_580 = arith.constant 0 : i32
      %dma_wait3A_581 = tpu.memref_slice %arg8[%dma_wait3A_576, %dma_wait3A_579, %dma_wait3A_580] : memref<5x40x144xf32, #tpu.memory_space<vmem>> -> memref<1x40x144xf32, #tpu.memory_space<vmem>>
      %dma_wait3A_582 = tpu.memref_squeeze %dma_wait3A_581 : memref<1x40x144xf32, #tpu.memory_space<vmem>> -> memref<40x144xf32, #tpu.memory_space<vmem>>
      %dma_wait3A_583 = arith.constant 0 : i32
      %dma_wait3A_584 = tpu.memref_slice %arg7[%dma_wait3A_577, %dma_wait3A_578, %dma_wait3A_583] : memref<2x5x40xi32, #tpu.memory_space<vmem>> -> memref<1x1x40xi32, #tpu.memory_space<vmem>>
      %dma_wait3A_585 = tpu.memref_squeeze %dma_wait3A_584 : memref<1x1x40xi32, #tpu.memory_space<vmem>> -> memref<40xi32, #tpu.memory_space<vmem>>
      %dma_wait3A_586 = arith.constant 0 : i32
      %dma_wait3A_587 = arith.constant 0 : i32
      %dma_wait3A_588 = tpu.memref_slice %arg9[%dma_wait3A_586, %dma_wait3A_587] : memref<10240x144xf32, #tpu.memory_space<vmem_shared>> -> memref<10240x144xf32, #tpu.memory_space<vmem_shared>>
      tpu.wait_indirect_dma semaphore(%arg11 : memref<!tpu.dma_semaphore, #tpu.memory_space<semaphore_mem>>) src(%dma_wait3A_582 : memref<40x144xf32, #tpu.memory_space<vmem>>) dst(%dma_wait3A_588 : memref<10240x144xf32, #tpu.memory_space<vmem_shared>>)
      %dma_wait3A_589 = arith.constant 1 : i32
      %dma_wait3A_590 = arith.constant 1 : i32
      %dma_wait3A_591 = arith.constant 1 : i32
      %dma_wait3A_592 = arith.constant 0 : i32
      %dma_wait3A_593 = arith.constant 0 : i32
      %dma_wait3A_594 = tpu.memref_slice %arg8[%dma_wait3A_589, %dma_wait3A_592, %dma_wait3A_593] : memref<5x40x144xf32, #tpu.memory_space<vmem>> -> memref<1x40x144xf32, #tpu.memory_space<vmem>>
      %dma_wait3A_595 = tpu.memref_squeeze %dma_wait3A_594 : memref<1x40x144xf32, #tpu.memory_space<vmem>> -> memref<40x144xf32, #tpu.memory_space<vmem>>
      %dma_wait3A_596 = arith.constant 0 : i32
      %dma_wait3A_597 = tpu.memref_slice %arg7[%dma_wait3A_590, %dma_wait3A_591, %dma_wait3A_596] : memref<2x5x40xi32, #tpu.memory_space<vmem>> -> memref<1x1x40xi32, #tpu.memory_space<vmem>>
      %dma_wait3A_598 = tpu.memref_squeeze %dma_wait3A_597 : memref<1x1x40xi32, #tpu.memory_space<vmem>> -> memref<40xi32, #tpu.memory_space<vmem>>
      %dma_wait3A_599 = arith.constant 0 : i32
      %dma_wait3A_600 = arith.constant 0 : i32
      %dma_wait3A_601 = tpu.memref_slice %arg9[%dma_wait3A_599, %dma_wait3A_600] : memref<10240x144xf32, #tpu.memory_space<vmem_shared>> -> memref<10240x144xf32, #tpu.memory_space<vmem_shared>>
      tpu.wait_indirect_dma semaphore(%arg11 : memref<!tpu.dma_semaphore, #tpu.memory_space<semaphore_mem>>) src(%dma_wait3A_595 : memref<40x144xf32, #tpu.memory_space<vmem>>) dst(%dma_wait3A_601 : memref<10240x144xf32, #tpu.memory_space<vmem_shared>>)
      %dma_wait3A_602 = arith.constant 2 : i32
      %dma_wait3A_603 = arith.constant 1 : i32
      %dma_wait3A_604 = arith.constant 2 : i32
      %dma_wait3A_605 = arith.constant 0 : i32
      %dma_wait3A_606 = arith.constant 0 : i32
      %dma_wait3A_607 = tpu.memref_slice %arg8[%dma_wait3A_602, %dma_wait3A_605, %dma_wait3A_606] : memref<5x40x144xf32, #tpu.memory_space<vmem>> -> memref<1x40x144xf32, #tpu.memory_space<vmem>>
      %dma_wait3A_608 = tpu.memref_squeeze %dma_wait3A_607 : memref<1x40x144xf32, #tpu.memory_space<vmem>> -> memref<40x144xf32, #tpu.memory_space<vmem>>
      %dma_wait3A_609 = arith.constant 0 : i32
      %dma_wait3A_610 = tpu.memref_slice %arg7[%dma_wait3A_603, %dma_wait3A_604, %dma_wait3A_609] : memref<2x5x40xi32, #tpu.memory_space<vmem>> -> memref<1x1x40xi32, #tpu.memory_space<vmem>>
      %dma_wait3A_611 = tpu.memref_squeeze %dma_wait3A_610 : memref<1x1x40xi32, #tpu.memory_space<vmem>> -> memref<40xi32, #tpu.memory_space<vmem>>
      %dma_wait3A_612 = arith.constant 0 : i32
      %dma_wait3A_613 = arith.constant 0 : i32
      %dma_wait3A_614 = tpu.memref_slice %arg9[%dma_wait3A_612, %dma_wait3A_613] : memref<10240x144xf32, #tpu.memory_space<vmem_shared>> -> memref<10240x144xf32, #tpu.memory_space<vmem_shared>>
      tpu.wait_indirect_dma semaphore(%arg11 : memref<!tpu.dma_semaphore, #tpu.memory_space<semaphore_mem>>) src(%dma_wait3A_608 : memref<40x144xf32, #tpu.memory_space<vmem>>) dst(%dma_wait3A_614 : memref<10240x144xf32, #tpu.memory_space<vmem_shared>>)
      %dma_wait3A_615 = arith.constant 3 : i32
      %dma_wait3A_616 = arith.constant 1 : i32
      %dma_wait3A_617 = arith.constant 3 : i32
      %dma_wait3A_618 = arith.constant 0 : i32
      %dma_wait3A_619 = arith.constant 0 : i32
      %dma_wait3A_620 = tpu.memref_slice %arg8[%dma_wait3A_615, %dma_wait3A_618, %dma_wait3A_619] : memref<5x40x144xf32, #tpu.memory_space<vmem>> -> memref<1x40x144xf32, #tpu.memory_space<vmem>>
      %dma_wait3A_621 = tpu.memref_squeeze %dma_wait3A_620 : memref<1x40x144xf32, #tpu.memory_space<vmem>> -> memref<40x144xf32, #tpu.memory_space<vmem>>
      %dma_wait3A_622 = arith.constant 0 : i32
      %dma_wait3A_623 = tpu.memref_slice %arg7[%dma_wait3A_616, %dma_wait3A_617, %dma_wait3A_622] : memref<2x5x40xi32, #tpu.memory_space<vmem>> -> memref<1x1x40xi32, #tpu.memory_space<vmem>>
      %dma_wait3A_624 = tpu.memref_squeeze %dma_wait3A_623 : memref<1x1x40xi32, #tpu.memory_space<vmem>> -> memref<40xi32, #tpu.memory_space<vmem>>
      %dma_wait3A_625 = arith.constant 0 : i32
      %dma_wait3A_626 = arith.constant 0 : i32
      %dma_wait3A_627 = tpu.memref_slice %arg9[%dma_wait3A_625, %dma_wait3A_626] : memref<10240x144xf32, #tpu.memory_space<vmem_shared>> -> memref<10240x144xf32, #tpu.memory_space<vmem_shared>>
      tpu.wait_indirect_dma semaphore(%arg11 : memref<!tpu.dma_semaphore, #tpu.memory_space<semaphore_mem>>) src(%dma_wait3A_621 : memref<40x144xf32, #tpu.memory_space<vmem>>) dst(%dma_wait3A_627 : memref<10240x144xf32, #tpu.memory_space<vmem_shared>>)
      %dma_wait3A_628 = arith.constant 4 : i32
      %dma_wait3A_629 = arith.constant 1 : i32
      %dma_wait3A_630 = arith.constant 4 : i32
      %dma_wait3A_631 = arith.constant 0 : i32
      %dma_wait3A_632 = arith.constant 0 : i32
      %dma_wait3A_633 = tpu.memref_slice %arg8[%dma_wait3A_628, %dma_wait3A_631, %dma_wait3A_632] : memref<5x40x144xf32, #tpu.memory_space<vmem>> -> memref<1x40x144xf32, #tpu.memory_space<vmem>>
      %dma_wait3A_634 = tpu.memref_squeeze %dma_wait3A_633 : memref<1x40x144xf32, #tpu.memory_space<vmem>> -> memref<40x144xf32, #tpu.memory_space<vmem>>
      %dma_wait3A_635 = arith.constant 0 : i32
      %dma_wait3A_636 = tpu.memref_slice %arg7[%dma_wait3A_629, %dma_wait3A_630, %dma_wait3A_635] : memref<2x5x40xi32, #tpu.memory_space<vmem>> -> memref<1x1x40xi32, #tpu.memory_space<vmem>>
      %dma_wait3A_637 = tpu.memref_squeeze %dma_wait3A_636 : memref<1x1x40xi32, #tpu.memory_space<vmem>> -> memref<40xi32, #tpu.memory_space<vmem>>
      %dma_wait3A_638 = arith.constant 0 : i32
      %dma_wait3A_639 = arith.constant 0 : i32
      %dma_wait3A_640 = tpu.memref_slice %arg9[%dma_wait3A_638, %dma_wait3A_639] : memref<10240x144xf32, #tpu.memory_space<vmem_shared>> -> memref<10240x144xf32, #tpu.memory_space<vmem_shared>>
      tpu.wait_indirect_dma semaphore(%arg11 : memref<!tpu.dma_semaphore, #tpu.memory_space<semaphore_mem>>) src(%dma_wait3A_634 : memref<40x144xf32, #tpu.memory_space<vmem>>) dst(%dma_wait3A_640 : memref<10240x144xf32, #tpu.memory_space<vmem_shared>>)
      %dma_wait3A_641 = arith.constant 0 : i32
      %dma_wait3A_642 = arith.constant 0 : i32
      %dma_wait3A_643 = arith.constant 0 : i32
      %dma_wait3A_644 = tpu.memref_slice %arg6[%dma_wait3A_641, %dma_wait3A_642, %dma_wait3A_643] : memref<2x5x40xi32, #tpu.memory_space<vmem>> -> memref<1x5x40xi32, #tpu.memory_space<vmem>>
      %dma_wait3A_645 = tpu.memref_squeeze %dma_wait3A_644 : memref<1x5x40xi32, #tpu.memory_space<vmem>> -> memref<5x40xi32, #tpu.memory_space<vmem>>
      %dma_wait3A_646 = arith.constant 0 : i32
      %dma_wait3A_647 = tpu.memref_slice %arg3[%add3A_419, %dma_wait3A_646] : memref<8005x40xi32, #tpu.memory_space<hbm>> -> memref<5x40xi32, #tpu.memory_space<hbm>>
      %dma_wait3A_648 = arith.constant 0 : i32
      %dma_wait3A_649 = arith.constant 0 : i32
      %dma_wait3A_650 = tpu.memref_slice %arg6[%dma_wait3A_641, %dma_wait3A_648, %dma_wait3A_649] : memref<2x5x40xi32, #tpu.memory_space<vmem>> -> memref<1x5x40xi32, #tpu.memory_space<vmem>>
      %dma_wait3A_651 = tpu.memref_squeeze %dma_wait3A_650 : memref<1x5x40xi32, #tpu.memory_space<vmem>> -> memref<5x40xi32, #tpu.memory_space<vmem>>
      %dma_wait3A_652 = arith.constant 0 : i32
      %dma_wait3A_653 = tpu.memref_slice %arg3[%add3A_419, %dma_wait3A_652] : memref<8005x40xi32, #tpu.memory_space<hbm>> -> memref<5x40xi32, #tpu.memory_space<hbm>>
      tpu.wait_dma2 semaphore(%arg12 : memref<!tpu.dma_semaphore, #tpu.memory_space<semaphore_mem>>) src(%dma_wait3A_653 : memref<5x40xi32, #tpu.memory_space<hbm>>) dst(%dma_wait3A_651 : memref<5x40xi32, #tpu.memory_space<vmem>>)
      %dma_wait3A_654 = arith.constant 0 : i32
      %dma_wait3A_655 = arith.constant 0 : i32
      %dma_wait3A_656 = arith.constant 0 : i32
      %dma_wait3A_657 = tpu.memref_slice %arg7[%dma_wait3A_654, %dma_wait3A_655, %dma_wait3A_656] : memref<2x5x40xi32, #tpu.memory_space<vmem>> -> memref<1x5x40xi32, #tpu.memory_space<vmem>>
      %dma_wait3A_658 = tpu.memref_squeeze %dma_wait3A_657 : memref<1x5x40xi32, #tpu.memory_space<vmem>> -> memref<5x40xi32, #tpu.memory_space<vmem>>
      %dma_wait3A_659 = arith.constant 0 : i32
      %dma_wait3A_660 = tpu.memref_slice %arg4[%add3A_419, %dma_wait3A_659] : memref<8005x40xi32, #tpu.memory_space<hbm>> -> memref<5x40xi32, #tpu.memory_space<hbm>>
      %dma_wait3A_661 = arith.constant 0 : i32
      %dma_wait3A_662 = arith.constant 0 : i32
      %dma_wait3A_663 = tpu.memref_slice %arg7[%dma_wait3A_654, %dma_wait3A_661, %dma_wait3A_662] : memref<2x5x40xi32, #tpu.memory_space<vmem>> -> memref<1x5x40xi32, #tpu.memory_space<vmem>>
      %dma_wait3A_664 = tpu.memref_squeeze %dma_wait3A_663 : memref<1x5x40xi32, #tpu.memory_space<vmem>> -> memref<5x40xi32, #tpu.memory_space<vmem>>
      %dma_wait3A_665 = arith.constant 0 : i32
      %dma_wait3A_666 = tpu.memref_slice %arg4[%add3A_419, %dma_wait3A_665] : memref<8005x40xi32, #tpu.memory_space<hbm>> -> memref<5x40xi32, #tpu.memory_space<hbm>>
      tpu.wait_dma2 semaphore(%arg12 : memref<!tpu.dma_semaphore, #tpu.memory_space<semaphore_mem>>) src(%dma_wait3A_666 : memref<5x40xi32, #tpu.memory_space<hbm>>) dst(%dma_wait3A_664 : memref<5x40xi32, #tpu.memory_space<vmem>>)
    }
    %scan3A_20 = arith.constant 25 : i32
    %barrier3A_21 = arith.constant 0 : index
    tpu.barrier barrier_id(%barrier3A_21)
    %mul3A_22 = arith.constant 640 : i32
    %mul3A_23 = arith.muli %arg1, %mul3A_22 : i32
    "tpu.region"() ({
      %run_scoped3A_24 = tpu.sem_alloc : memref<!tpu.dma_semaphore, #tpu.memory_space<semaphore_mem>>
      %dma_start3A = arith.constant 0 : i32
      %dma_start3A_25 = arith.constant 0 : i32
      %dma_start3A_26 = tpu.memref_slice %arg5[%arg0, %dma_start3A, %dma_start3A_25] : memref<2x10240x144xf32, #tpu.memory_space<hbm>> -> memref<1x10240x144xf32, #tpu.memory_space<hbm>>
      %dma_start3A_27 = tpu.memref_squeeze %dma_start3A_26 : memref<1x10240x144xf32, #tpu.memory_space<hbm>> -> memref<10240x144xf32, #tpu.memory_space<hbm>>
      %dma_start3A_28 = arith.constant 0 : i32
      %dma_start3A_29 = tpu.memref_slice %dma_start3A_27[%mul3A_23, %dma_start3A_28] : memref<10240x144xf32, #tpu.memory_space<hbm>> -> memref<640x144xf32, #tpu.memory_space<hbm>>
      %dma_start3A_30 = arith.constant 0 : i32
      %dma_start3A_31 = tpu.memref_slice %arg9[%mul3A_23, %dma_start3A_30] : memref<10240x144xf32, #tpu.memory_space<vmem_shared>> -> memref<640x144xf32, #tpu.memory_space<vmem_shared>>
      tpu.enqueue_dma source(%dma_start3A_31 : memref<640x144xf32, #tpu.memory_space<vmem_shared>>) target(%dma_start3A_29 : memref<640x144xf32, #tpu.memory_space<hbm>>) target_semaphore(%run_scoped3A_24 : memref<!tpu.dma_semaphore, #tpu.memory_space<semaphore_mem>>)
      %dma_wait3A = arith.constant 0 : i32
      %dma_wait3A_32 = arith.constant 0 : i32
      %dma_wait3A_33 = tpu.memref_slice %arg5[%arg0, %dma_wait3A, %dma_wait3A_32] : memref<2x10240x144xf32, #tpu.memory_space<hbm>> -> memref<1x10240x144xf32, #tpu.memory_space<hbm>>
      %dma_wait3A_34 = tpu.memref_squeeze %dma_wait3A_33 : memref<1x10240x144xf32, #tpu.memory_space<hbm>> -> memref<10240x144xf32, #tpu.memory_space<hbm>>
      %dma_wait3A_35 = arith.constant 0 : i32
      %dma_wait3A_36 = tpu.memref_slice %dma_wait3A_34[%mul3A_23, %dma_wait3A_35] : memref<10240x144xf32, #tpu.memory_space<hbm>> -> memref<640x144xf32, #tpu.memory_space<hbm>>
      %dma_wait3A_37 = arith.constant 0 : i32
      %dma_wait3A_38 = tpu.memref_slice %arg9[%mul3A_23, %dma_wait3A_37] : memref<10240x144xf32, #tpu.memory_space<vmem_shared>> -> memref<640x144xf32, #tpu.memory_space<vmem_shared>>
      tpu.wait_dma2 semaphore(%run_scoped3A_24 : memref<!tpu.dma_semaphore, #tpu.memory_space<semaphore_mem>>) src(%dma_wait3A_38 : memref<640x144xf32, #tpu.memory_space<vmem_shared>>) dst(%dma_wait3A_36 : memref<640x144xf32, #tpu.memory_space<hbm>>)
      tpu.yield
    }) : () -> ()
    return
  }
}

module attributes {stable_mosaic.version = 14 : i64} {
  func.func @_dense_body(%arg0: i32, %arg1: memref<400x128xf32, #tpu.memory_space<vmem>>, %arg2: memref<400x144xf32, #tpu.memory_space<vmem>>, %arg3: memref<400x144xf32, #tpu.memory_space<vmem>>, %arg4: memref<128x128xf32, #tpu.memory_space<vmem>>, %arg5: memref<128x128xf32, #tpu.memory_space<vmem>>, %arg6: memref<1x128xf32, #tpu.memory_space<vmem>>, %arg7: memref<400x128xf32, #tpu.memory_space<vmem>>) attributes {dimension_semantics = [#tpu.dimension_semantics<arbitrary>], iteration_bounds = array<i64: 25>, scalar_prefetch = 0 : i64, scratch_operands = 0 : i64, tpu.core_type = #tpu.core_type<tc>, window_params = [{transform_indices = @transform_0, window_bounds = array<i64: 400, 128>}, {transform_indices = @transform_1, window_bounds = array<i64: 400, 144>}, {transform_indices = @transform_2, window_bounds = array<i64: 400, 144>}, {pipeline_mode = #tpu.pipeline_mode<synchronous>, transform_indices = @transform_3, window_bounds = array<i64: 128, 128>}, {pipeline_mode = #tpu.pipeline_mode<synchronous>, transform_indices = @transform_4, window_bounds = array<i64: 128, 128>}, {pipeline_mode = #tpu.pipeline_mode<synchronous>, transform_indices = @transform_5, window_bounds = array<i64: 1, 128>}, {transform_indices = @transform_6, window_bounds = array<i64: 400, 128>}]} {
    %get3A = arith.constant 0 : index
    %get3A_0 = arith.constant 0 : index
    %get3A_1 = vector.load %arg2[%get3A, %get3A_0] : memref<400x144xf32, #tpu.memory_space<vmem>>, vector<400x144xf32>
    %get3A_2 = arith.constant 0 : index
    %get3A_3 = arith.constant 0 : index
    %get3A_4 = vector.load %arg3[%get3A_2, %get3A_3] : memref<400x144xf32, #tpu.memory_space<vmem>>, vector<400x144xf32>
    %add3A = arith.addf %get3A_1, %get3A_4 : vector<400x144xf32>
    %slice3A = vector.extract_strided_slice %add3A {offsets = [0, 128], sizes = [400, 1], strides = [1, 1]} : vector<400x144xf32> to vector<400x1xf32>
    %max3A = arith.constant 1.000000e+00 : f32
    %max3A_5 = vector.broadcast %max3A : f32 to vector<400x1xf32>
    %max3A_6 = arith.maximumf %slice3A, %max3A_5 : vector<400x1xf32>
    %slice3A_7 = vector.extract_strided_slice %add3A {offsets = [0, 0], sizes = [400, 128], strides = [1, 1]} : vector<400x144xf32> to vector<400x128xf32>
    %div3A = vector.broadcast %max3A_6 : vector<400x1xf32> to vector<400x128xf32>
    %div3A_8 = arith.divf %slice3A_7, %div3A : vector<400x128xf32>
    %get3A_9 = arith.constant 0 : index
    %get3A_10 = arith.constant 0 : index
    %get3A_11 = vector.load %arg4[%get3A_9, %get3A_10] : memref<128x128xf32, #tpu.memory_space<vmem>>, vector<128x128xf32>
    %dot_general3A = arith.constant dense<0.000000e+00> : vector<400x128xf32>
    %dot_general3A_12 = tpu.matmul %div3A_8, %get3A_11, %dot_general3A {dimension_numbers = #tpu.dot_dimension_numbers<[1], [0], [0], [1], [0, 0, 1, 1], [], []>, precision = #tpu.contract_precision<fp32>, transpose_lhs_hint = false} : vector<400x128xf32>, vector<128x128xf32>, vector<400x128xf32> -> vector<400x128xf32>
    %get3A_13 = arith.constant 0 : index
    %get3A_14 = arith.constant 0 : index
    %get3A_15 = vector.load %arg1[%get3A_13, %get3A_14] : memref<400x128xf32, #tpu.memory_space<vmem>>, vector<400x128xf32>
    %get3A_16 = arith.constant 0 : index
    %get3A_17 = arith.constant 0 : index
    %get3A_18 = vector.load %arg5[%get3A_16, %get3A_17] : memref<128x128xf32, #tpu.memory_space<vmem>>, vector<128x128xf32>
    %dot_general3A_19 = arith.constant dense<0.000000e+00> : vector<400x128xf32>
    %dot_general3A_20 = tpu.matmul %get3A_15, %get3A_18, %dot_general3A_19 {dimension_numbers = #tpu.dot_dimension_numbers<[1], [0], [0], [1], [0, 0, 1, 1], [], []>, precision = #tpu.contract_precision<fp32>, transpose_lhs_hint = false} : vector<400x128xf32>, vector<128x128xf32>, vector<400x128xf32> -> vector<400x128xf32>
    %add3A_21 = arith.addf %dot_general3A_12, %dot_general3A_20 : vector<400x128xf32>
    %get3A_22 = arith.constant 0 : index
    %get3A_23 = arith.constant 0 : index
    %get3A_24 = vector.load %arg6[%get3A_22, %get3A_23] : memref<1x128xf32, #tpu.memory_space<vmem>>, vector<1x128xf32>
    %add3A_25 = vector.broadcast %get3A_24 : vector<1x128xf32> to vector<400x128xf32>
    %add3A_26 = arith.addf %add3A_21, %add3A_25 : vector<400x128xf32>
    %max3A_27 = arith.constant 0.000000e+00 : f32
    %max3A_28 = vector.broadcast %max3A_27 : f32 to vector<400x128xf32>
    %max3A_29 = arith.maximumf %add3A_26, %max3A_28 : vector<400x128xf32>
    %swap3A = arith.constant 0 : index
    %swap3A_30 = arith.constant 0 : index
    %swap3A_31 = vector.load %arg7[%swap3A, %swap3A_30] : memref<400x128xf32, #tpu.memory_space<vmem>>, vector<400x128xf32>
    tpu.vector_store %arg7[%swap3A, %swap3A_30], %max3A_29 {strides = array<i32>} : memref<400x128xf32, #tpu.memory_space<vmem>>, vector<400x128xf32>,
    return
  }
  func.func @transform_0(%arg0: i32) -> (i32, i32) {
    %c0_i32 = arith.constant 0 : i32
    %c0_i32_0 = arith.constant 0 : i32
    return %arg0, %c0_i32 : i32, i32
  }
  func.func @transform_1(%arg0: i32) -> (i32, i32) {
    %c0_i32 = arith.constant 0 : i32
    %c0_i32_0 = arith.constant 0 : i32
    return %arg0, %c0_i32 : i32, i32
  }
  func.func @transform_2(%arg0: i32) -> (i32, i32) {
    %c0_i32 = arith.constant 0 : i32
    %c0_i32_0 = arith.constant 0 : i32
    return %arg0, %c0_i32 : i32, i32
  }
  func.func @transform_3(%arg0: i32) -> (i32, i32) {
    %c0_i32 = arith.constant 0 : i32
    %c0_i32_0 = arith.constant 0 : i32
    %c0_i32_1 = arith.constant 0 : i32
    return %c0_i32, %c0_i32_0 : i32, i32
  }
  func.func @transform_4(%arg0: i32) -> (i32, i32) {
    %c0_i32 = arith.constant 0 : i32
    %c0_i32_0 = arith.constant 0 : i32
    %c0_i32_1 = arith.constant 0 : i32
    return %c0_i32, %c0_i32_0 : i32, i32
  }
  func.func @transform_5(%arg0: i32) -> (i32, i32) {
    %c0_i32 = arith.constant 0 : i32
    %c0_i32_0 = arith.constant 0 : i32
    %c0_i32_1 = arith.constant 0 : i32
    return %c0_i32, %c0_i32_0 : i32, i32
  }
  func.func @transform_6(%arg0: i32) -> (i32, i32) {
    %c0_i32 = arith.constant 0 : i32
    %c0_i32_0 = arith.constant 0 : i32
    return %arg0, %c0_i32 : i32, i32
  }
}

</mosaic_0001>

<sc_bundles>
// kernel: kernel.4.cloned.1.call-start
scs
__scs_entry_jumppad:
0x0: {  	(pc) =	sbr.rel $0x88, $3  }
0x1: {  	(tag) =	ssettag $0x0;
	lr =	simm.s32 $0x1  }
0x2: {  	[smem:$0x3F9C] =	sst lr;
	_ =	strace $0xD0000000  }
0x3: {  	_ = 	snop  }
0x4: {  	_ = 	snop  }
0x5: {  	_ = 	snop  }
0x6: {  	_ = 	snop  }
0x7: {  	_ = 	snop  }
__scs_overlays_trampoline_lowered:
0x8: {  	[smem:$0x3FAB] =	sst s0  }
0x9: {  	[smem:$0x3FAC] =	sst s1  }
0xa: {  	[smem:$0x3FAD] =	sst s2  }
0xb: {  	[smem:$0x3FAE] =	sst s3  }
0xc: {  	[smem:$0x3FAF] =	sst s4  }
0xd: {  	[smem:$0x3FB0] =	sst s5  }
0xe: {  	[smem:$0x3FB1] =	sst s6  }
0xf: {  	[smem:$0x3FB2] =	sst s7  }
0x10: {  	[smem:$0x3FB3] =	sst s8  }
0x11: {  	[smem:$0x3FB4] =	sst s9;
	s0 =	simm.s32 @!p0 $0x0  }
0x12: {  	s1 =	sld [smem:$0x3F9A];
	s0 =	simm.s32 @p0 $0x1  }
0x13: {  	[smem:$0x3FB5] =	sst s0;
	s0 =	simm.s32 @!p1 $0x0  }
0x14: {  	s2 =	sld [smem:$0x3F99];
	s0 =	simm.s32 @p1 $0x1  }
0x15: {  	[smem:$0x3FB6] =	sst s0;
	s0 =	simm.s32 @!p2 $0x0  }
0x16: {  	s3 =	sld [smem:$0x3FDB];
	s0 =	simm.s32 @p2 $0x1  }
0x17: {  	s4 =	simm.s32 $0x1BF5;
	[smem:$0x3FB8] =	sst s0  }
0x18: {  	s0 =	sld [smem:$0x3F9B];
	_ =	swait.ge [sflag:s4], $0x0  }
0x19: {  	s7 =	sld [smem:$0x3F9C]  }
0x1a: {  	s8 =	sadd.s32 $0xFFFFE003, lr  }
0x1b: {  	s9 =	sadd.s32 $0xFFFFFEF7, lr;
	s5 =	simm.s32 $0xFFFFFFFF;
	p2 =	slt.u32 s8, $0xFFFFF086  }
0x1c: {  	p1 =	slt.u32 s9, $0xF7A;
	s5 =	simm.s32 @!p2 $0x0  }
0x1d: {  	s5 =	simm.s32 @p1 $0x1;
	p0 =	seq.s32 s7, s2  }
0x1e: {  	s7 =	smul.u32 @!p0 $0xF7A, s2;
	p2 =	seq.s32 @!p0 s5, $0x0  }
0x1f: {  	s9 =	smul.u32 $0xF7A, s1;
	s8 =	simm.s32 @!p0 $0x1BF5;
	p2 =	por !p2, p0  }
0x20: {  	[sflag:s8] =	ssyncset.s32 @!p0 $0xFFFFF086;
	s6 =	sadd.s32 @!p0 s3, s7;
	s7 =	simm.s32 @!p0 $0x108  }
0x21: {  	s3 =	sadd.s32 s3, s9;
	s6 =	sadd.s32 @!p0 $0x88, s6;
	s7 =	simm.s32 @p2 $0x1082  }
0x22: {  	[simem:s7], [sflag:s8] =	dma.local @!p0 [hbm:s6], $0xF7A  }
0x23: {  	s9 =	sor.u32 $0xD0000000, s2;
	s6 =	simm.s32 $0x108;
	_ =	swait.ge @!p0 [sflag:s8], $0x0  }
0x24: {  	s3 =	sadd.s32 $0x88, s3;
	s6 =	simm.s32 @!p1 $0x1082;
	[sflag:s4] =	ssyncset.s32 $0xFFFFF086  }
0x25: {  	[simem:s6], [sflag:s4] =	dma.local [hbm:s3], $0xF7A  }
0x26: {  	[smem:$0x3F9C] =	sst s1;
	(tag) =	ssettag s2;
	_ =	strace s9  }
0x27: {  	s1 =	sld [smem:$0x3FAC]  }
0x28: {  	s2 =	sld [smem:$0x3FAD]  }
0x29: {  	s4 =	sld [smem:$0x3FAF]  }
0x2a: {  	p0 =	seq.s32 s5, $0x0;
	s5 =	sld [smem:$0x3FB0]  }
0x2b: {  	s6 =	sld [smem:$0x3FB1]  }
0x2c: {  	s7 =	sld [smem:$0x3FB2]  }
0x2d: {  	s3 =	simm.s32 $0x108;
	s8 =	sld [smem:$0x3FB3]  }
0x2e: {  	s3 =	simm.s32 @!p0 $0x1082;
	s9 =	sld [smem:$0x3FB4]  }
0x2f: {  	lr =	sadd.s32 s0, s3;
	s0 =	sld [smem:$0x3FAB]  }
0x30: {  	s3 =	sld [smem:$0x3FAE]  }
0x31: {  	[smem:$0x3FB7] =	sst s10  }
0x32: {  	s10 =	sld [smem:$0x3FB5];
	_ =	sdelay $0x3  }
0x33: {  	p0 =	seq.s32 s10, $0x1;
	s10 =	sld [smem:$0x3FB7];
	_ =	sdelay $0x3  }
0x34: {  	[smem:$0x3FB7] =	sst s10  }
0x35: {  	s10 =	sld [smem:$0x3FB6];
	_ =	sdelay $0x3  }
0x36: {  	p1 =	seq.s32 s10, $0x1;
	s10 =	sld [smem:$0x3FB7];
	_ =	sdelay $0x3  }
0x37: {  	[smem:$0x3FB7] =	sst s10  }
0x38: {  	s10 =	sld [smem:$0x3FB8]  }
0x39: {  	_ = 	snop;
	(pc) =	sbr.ind lr, $3  }
0x3a: {  	_ = 	snop  }
0x3b: {  	_ = 	snop  }
0x3c: {  	p2 =	seq.s32 s10, $0x1;
	s10 =	sld [smem:$0x3FB7]  }
0x3d: {  	_ =	shalt  }
0x3e: {  	_ =	shalt  }
0x3f: {  	_ =	shalt  }
0x40: {  	_ =	shalt  }
0x41: {  	_ =	shalt  }
0x42: {  	_ =	shalt  }
0x43: {  	_ =	shalt  }
0x44: {  	_ =	shalt  }
0x45: {  	_ =	shalt  }
0x46: {  	_ =	shalt  }
0x47: {  	_ =	shalt  }
0x48: {  	_ =	shalt  }
0x49: {  	_ =	shalt  }
0x4a: {  	_ =	shalt  }
0x4b: {  	_ =	shalt  }
0x4c: {  	_ =	shalt  }
0x4d: {  	_ =	shalt  }
0x4e: {  	_ =	shalt  }
0x4f: {  	_ =	shalt  }
0x50: {  	_ =	shalt  }
0x51: {  	_ =	shalt  }
0x52: {  	_ =	shalt  }
0x53: {  	_ =	shalt  }
0x54: {  	_ =	shalt  }
0x55: {  	_ =	shalt  }
0x56: {  	_ =	shalt  }
0x57: {  	_ =	shalt  }
0x58: {  	_ =	shalt  }
0x59: {  	_ =	shalt  }
0x5a: {  	_ =	shalt  }
0x5b: {  	_ =	shalt  }
0x5c: {  	_ =	shalt  }
0x5d: {  	_ =	shalt  }
0x5e: {  	_ =	shalt  }
0x5f: {  	_ =	shalt  }
0x60: {  	_ =	shalt  }
0x61: {  	_ =	shalt  }
0x62: {  	_ =	shalt  }
0x63: {  	_ =	shalt  }
0x64: {  	_ =	shalt  }
0x65: {  	_ =	shalt  }
0x66: {  	_ =	shalt  }
0x67: {  	_ =	shalt  }
0x68: {  	_ =	shalt  }
0x69: {  	_ =	shalt  }
0x6a: {  	_ =	shalt  }
0x6b: {  	_ =	shalt  }
0x6c: {  	_ =	shalt  }
0x6d: {  	_ =	shalt  }
0x6e: {  	_ =	shalt  }
0x6f: {  	_ =	shalt  }
0x70: {  	_ =	shalt  }
0x71: {  	_ =	shalt  }
0x72: {  	_ =	shalt  }
0x73: {  	_ =	shalt  }
0x74: {  	_ =	shalt  }
0x75: {  	_ =	shalt  }
0x76: {  	_ =	shalt  }
0x77: {  	_ =	shalt  }
0x78: {  	_ =	shalt  }
0x79: {  	_ =	shalt  }
0x7a: {  	_ =	shalt  }
0x7b: {  	_ =	shalt  }
0x7c: {  	_ =	shalt  }
0x7d: {  	_ =	shalt  }
0x7e: {  	_ =	shalt  }
0x7f: {  	_ =	shalt  }
0x80: {  	_ =	shalt  }
0x81: {  	_ =	shalt  }
0x82: {  	_ =	shalt  }
0x83: {  	_ =	shalt  }
0x84: {  	_ =	shalt  }
0x85: {  	_ =	shalt  }
0x86: {  	_ =	shalt  }
0x87: {  	_ =	shalt  }
.Lfunc_end0:
.L_simem_size_0:
called_computation_lowered:
.L_overlay_start_0:
0x88: {  	s2 =	sld [smem:$0x3FD9]  }
0x89: {  	s3 =	sld [smem:$0x3FFE];
	_ =	sdelay $0x1  }
0x8a: {  	s1 =	srdreg.scid  }
0x8b: {  	s0 =	sand.u32 $0x1, s1  }
0x8c: {  	s17 =	sshll.u32 s0, $0xA;
	s2 =	sadd.s32 s3, s2  }
0x8d: {  	s2 =	sadd.s32 s2, s17  }
0x8e: {  	[smem:$0x3FC3] =	sst s2  }
0x8f: {  	_ = 	snop  }
0x90: {  	s2 =	sld [smem:$0x3FD0];
	(tm) =	ssettm $0x1  }
0x91: {  	s18 =	sld [smem:$0x3FFB];
	_ =	sdelay $0x3  }
0x92: {  	_ =	strace s18  }
0x93: {  	s3 =	sld [smem:$0x3FFC];
	_ =	sdelay $0x3  }
0x94: {  	_ =	strace s3  }
0x95: {  	s3 =	sld [smem:$0x3FFD];
	_ =	sdelay $0x3  }
0x96: {  	_ =	strace s3  }
0x97: {  	_ =	strace $0x8FFFFFFF  }
0x98: {  	s19 =	sld [smem:$0x3FDB];
	_ =	sdelay $0x1  }
0x99: {  	s4 =	simm.s32 $_scs_section_size  }
0x9a: {  	s5 =	simm.s32 $_size__tile_overlayer_lowered;
	s6 =	simm.s32 $_tile_overlayer_lowered  }
0x9b: {  	s22 =	simm.s32 $0x1BFF;
	s21 =	sshll.u32 s6, $0x1;
	s3 =	sadd.s32 s4, s19  }
0x9c: {  	s7 =	simm.s32 $0x0;
	s20 =	sshll.u32 s5, $0x1;
	s5 =	sadd.s32 s21, s3  }
0x9d: {  	[timem:s7], [sflag:s22] =	dma.local [hbm:s5], s20  }
0x9e: {  	_ =	swait.ge [sflag:s22], s20  }
0x9f: {  	s4 =	ssub.s32 $0x0, s20;
	[sflag:s22] =	ssyncset.done $0x0  }
0xa0: {  	[sflag:s22] =	ssyncadd.s32 s4;
	_ =	sdelay $0x1  }
0xa1: {  	s23 =	simm.s32 $0x1B8B  }
0xa2: {  	_ =	swait.ge [sflag:s23], $0x1  }
0xa3: {  	[sflag:s23] =	ssyncset.done $0x0  }
0xa4: {  	s25 =	simm.s32 $0x1B8E;
	s24 =	sld [smem:$0x3FFE];
	[sflag:s23] =	ssyncadd.s32 $0xFFFFFFFF  }
0xa5: {  	s26 =	simm.s32 $execute0_lowered;
	[smem:$0x3FD2] =	sst s25  }
0xa6: {  	s5 =	sshll.u32 s26, $0x1;
	_ =	strace $0x80000046;
	[dreg:$0x1] =	wrdreg $0xFFFFFFFF  }
0xa7: {  	s28 =	simm.s32 $_size_execute0_lowered;
	s3 =	sadd.s32 s3, s5;
	[dreg:$0x0] =	wrdreg $0x0  }
0xa8: {  	s5 =	sshll.u32 s28, $0x1;
	[dreg:$0x2] =	wrdreg s3  }
0xa9: {  	[dreg:$0x3] =	wrdreg s5  }
0xaa: {  	[dreg:$0x4] =	wrdreg $0xC0  }
0xab: {  	_ =	task [dreg:s7], $0x5FFFF  }
0xac: {  	[dreg:$0x1] =	wrdreg $0xFFFFFFFF  }
0xad: {  	[dreg:$0x0] =	wrdreg $0x60  }
0xae: {  	[dreg:$0x2] =	wrdreg s24  }
0xaf: {  	[dreg:$0x3] =	wrdreg s2  }
0xb0: {  	[dreg:$0x4] =	wrdreg $0x73A00  }
0xb1: {  	[dreg:$0x5] =	wrdreg $0x9  }
0xb2: {  	_ =	task.clear_ibuf [dreg:s7], $0x6FFFF;
	_ =	strace $0x90000046  }
0xb3: {  	s29 =	simm.s32 $0x9;
	_ =	strace $0x80000048  }
0xb4: {  	_ =	swait.ge [sflag:s29], $0x1  }
0xb5: {  	[sflag:s29] =	ssyncadd.s32 $0xFFFFFFFF  }
0xb6: {  	_ =	strace $0x90000048  }
0xb7: {  	_ =	sfence  }
0xb8: {  	s30 =	sld [smem:$0x0];
	_ =	sdelay $0x2  }
0xb9: {  	s31 =	sshll.u32 s1, $0xD;
	s1 =	sshrl.u32 s1, $0x2  }
0xba: {  	s3 =	sand.u32 $0x4000, s31;
	s1 =	sadd.s32 s1, s30  }
0xbb: {  	s0 =	sor.u32 s3, s0;
	s1 =	sshll.u32 s1, $0x11  }
0xbc: {  	s0 =	sor.u32 s1, s0  }
0xbd: {  	s0 =	sadd.s32 $0x8F2B, s0  }
0xbe: {  	[sflag:s0] =	ssyncadd.remote.s32 $0x1  }
0xbf: {  	_ =	sfence.sel $0xFFFF  }
0xc0: {  	[dreg:$0x0] =	wrdreg $0xFFFFFFFF;
	(pc) =	sbr.abs _section_cstart, $3  }
0xc1: {  	[dreg:$0x1] =	wrdreg $0xFFFFFFFF  }
0xc2: {  	_ =	task.clear_ibuf [dreg:s7], $0x2FFFF;
	_ =	strace $0x9FFFFFFF  }
0xc3: {  	(tm) =	ssettm $0x7FFFFFFF  }
tec
execute0_lowered:
.L_overlay_start_1:
0x0: {  	(tag) =	ssettag $0x1  }
0x1: {  	s0 =	rddreg [dreg:$0x0]  }
0x2: {  	s1 =	rddreg [dreg:$0x1]  }
0x3: {  	s2 =	rddreg [dreg:$0x2]  }
0x4: {  	s4 =	srdreg.scid;
	s12 =	stileid.u32  }
0x5: {  	s3 =	simm.s32 $0x0;
	s13 =	simm.s32 $0x78;
	s15 =	simm.s32 $0xA0  }
0x6: {  	s28 =	simm.s32 $0x4;
	s29 =	simm.s32 $0x190;
	s10 =	smul.u32 $0x16800, s12  }
0x7: {  	s5 =	sand.u32 $0x1, s4;
	s16 =	sshll.u32 s12, $0x1;
	s11 =	smul.u32 $0x5A000, s12  }
0x8: {  	[smem:$0x7FF] =	sst s3;
	s4 =	sadd.s32 $0x600, s0;
	s20 =	smul.u32 $0x9C4, s12  }
0x9: {  	s8 =	sadd.s32 $0x2C600, s0;
	s6 =	smul.u32 $0x2D000, s5;
	s7 =	sor.u32 s5, s16  }
0xa: {  	_ =	strace $0x80000047;
	s9 =	ssub.s32 $0x2, s5;
	[dreg:$0x7] =	wrdreg s13  }
0xb: {  	[dreg:$0x8] =	wrdreg s15;
	s7 =	smul.u32 $0x4E2, s7;
	s17 =	sshrl.u32 s9, $0x1  }
0xc: {  	s19 =	sshrl.u32 s11, $0x2;
	s11 =	simm.s32 $0x50;
	s0 =	sadd.s32 s6, s0  }
0xd: {  	s6 =	ssub.s32 s9, s17;
	[dreg:$0x6] =	wrdreg s11;
	s17 =	simm.s32 $0x1B8  }
0xe: {  	s5 =	smul.u32 $0x4E2, s5;
	s18 =	sadd.s32 s1, s7;
	[dreg:$0x9] =	wrdreg s17  }
0xf: {  	s25 =	sadd.s32 s20, s8;
	s7 =	sadd.s32 s8, s7;
	[dreg:$0xc] =	wrdreg s18  }
0x10: {  	s6 =	smax.u32 s6, $0x1;
	s1 =	sadd.s32 s20, s1;
	[dreg:$0xd] =	wrdreg s7  }
0x11: {  	s9 =	sshrl.u32 s10, $0x3;
	[dreg:$0xf] =	wrdreg s6;
	s1 =	sadd.s32 s5, s1  }
0x12: {  	s0 =	sadd.s32 $0x36400, s0;
	s6 =	sadd.s32 s5, s25;
	[dreg:$0x4] =	wrdreg s1  }
0x13: {  	s7 =	sadd.s32 s19, s2;
	s19 =	simm.s32 $0x1E0;
	[dreg:$0x5] =	wrdreg s6  }
0x14: {  	s30 =	simm.s32 $0x28;
	s0 =	sadd.s32 s9, s0;
	[dreg:$0xa] =	wrdreg s19  }
0x15: {  	s31 =	simm.s32 $0x19A0;
	s13 =	simm.s32 $0xF0;
	[dreg:$0x1e] =	wrdreg s0  }
0x16: {  	s15 =	simm.s32 $0x140;
	s21 =	sadd.s32 $0x1680, s7;
	[dreg:$0xe] =	wrdreg s7  }
0x17: {  	s10 =	sadd.s32 s10, s2;
	s22 =	sadd.s32 $0x2D00, s7;
	[dreg:$0x10] =	wrdreg s21  }
0x18: {  	s11 =	simm.s32 $0x2;
	s23 =	sadd.s32 $0x4380, s7;
	[dreg:$0x11] =	wrdreg s22  }
0x19: {  	s17 =	simm.s32 $0x280;
	s24 =	sadd.s32 $0x5A00, s7;
	[dreg:$0x12] =	wrdreg s23  }
0x1a: {  	s5 =	simm.s32 $0x5D20;
	s26 =	sadd.s32 $0x7080, s7;
	[dreg:$0x13] =	wrdreg s24  }
0x1b: {  	s9 =	simm.s32 $0x1;
	s8 =	sadd.s32 $0x8700, s7;
	[dreg:$0x14] =	wrdreg s26  }
0x1c: {  	s12 =	sadd.s32 $0x9D80, s7;
	s14 =	sadd.s32 $0xB400, s7;
	[dreg:$0x15] =	wrdreg s8  }
0x1d: {  	s16 =	sadd.s32 $0xCA80, s7;
	s18 =	sadd.s32 $0xE100, s7;
	[dreg:$0x16] =	wrdreg s12  }
0x1e: {  	s20 =	sadd.s32 $0xF780, s7;
	s25 =	sadd.s32 $0x15180, s7;
	[dreg:$0x17] =	wrdreg s14  }
0x1f: {  	s0 =	simm.s32 $0x3020;
	s1 =	simm.s32 $0x46A0;
	[dreg:$0x18] =	wrdreg s16  }
0x20: {  	s6 =	simm.s32 $0xC8;
	s19 =	simm.s32 $0x2D0;
	[dreg:$0x19] =	wrdreg s18  }
0x21: {  	[dreg:$0x1a] =	wrdreg s20;
	s21 =	simm.s32 $0x208;
	s22 =	sadd.s32 $0x10E00, s7  }
0x22: {  	s23 =	sadd.s32 $0x12480, s7;
	s24 =	sadd.s32 $0x13B00, s7;
	[dreg:$0x1f] =	wrdreg s25  }
0x23: {  	s26 =	sshrl.u32 s10, $0x3;
	s8 =	simm.s32 $0x258;
	[dreg:$0x1b] =	wrdreg s22  }
0x24: {  	s10 =	simm.s32 $0x230;
	s12 =	simm.s32 $0x3;
	[dreg:$0x1c] =	wrdreg s23  }
0x25: {  	s14 =	simm.s32 $0x118;
	s16 =	simm.s32 $0x168;
	[dreg:$0xb] =	wrdreg s21  }
0x26: {  	s18 =	simm.s32 $0x2A8;
	s20 =	simm.s32 $0x2F8;
	[dreg:$0x1d] =	wrdreg s24  }
0x27: {  	v0 =	vimm.f32 $0.0e+00;
	[smem:$0x7FD] =	sst s26;
	s26 =	simm.s32 $0x320;
	s21 =	simm.s32 $0x0  }
.LBB2_1:
0x28: {  	s22 =	simm.s32 $0x0;
	s23 =	simm.s32 $0x240  }
.LBB2_2:
0x29: {  	p0 =	sne.s32 s23, $0x57C0;
	[tilespmem:s22+$0x3A0] =	vst v0  }
0x2a: {  	[tilespmem:s22+$0x320] =	vst v0  }
0x2b: {  	[tilespmem:s22+$0x330] =	vst v0  }
0x2c: {  	[tilespmem:s22+$0x340] =	vst v0  }
.Ltmp0:
0x2d: {  	[tilespmem:s22+$0x350] =	vst v0;
	(pc) =	sbr.rel @p0 .LBB2_2-.Ltmp0, $4  }
0x2e: {  	[tilespmem:s22+$0x360] =	vst v0  }
0x2f: {  	[tilespmem:s22+$0x370] =	vst v0  }
0x30: {  	[tilespmem:s22+$0x380] =	vst v0  }
0x31: {  	[tilespmem:s22+$0x390] =	vst v0;
	s22 =	sshra.s32 s23, $0x2;
	s23 =	sadd.s32 $0x240, s23  }
0x32: {  	[tilespmem:s22+$0x3A0] =	vst v0  }
0x33: {  	[tilespmem:s22+$0x320] =	vst v0  }
0x34: {  	[tilespmem:s22+$0x330] =	vst v0  }
0x35: {  	[tilespmem:s22+$0x340] =	vst v0  }
0x36: {  	[tilespmem:s22+$0x350] =	vst v0  }
0x37: {  	[tilespmem:s22+$0x360] =	vst v0  }
0x38: {  	[tilespmem:s22+$0x370] =	vst v0  }
0x39: {  	[tilespmem:s22+$0x380] =	vst v0  }
0x3a: {  	[tilespmem:s22+$0x390] =	vst v0;
	s7 =	rddreg [dreg:$0xe]  }
0x3b: {  	[spmem:s7] =	stream.linear.scatter [tilespmem:s26], [sflag:$0x4], $0x1680, $0x38;
	[tilespmem:$0x1DBA0] =	vst v63  }
0x3c: {  	_ =	swait.ge [sflag:s28], $0x1680  }
0x3d: {  	[sflag:s28] =	ssyncset.done $0x0  }
0x3e: {  	s24 =	rddreg [dreg:$0x10];
	[sflag:s28] =	ssyncadd.s32 $0xFFFFE980  }
0x3f: {  	[spmem:s24] =	stream.linear.scatter [tilespmem:s26], [sflag:$0x4], $0x1680, $0x38;
	[tilespmem:$0x1DBA0] =	vst v63  }
0x40: {  	_ =	swait.ge [sflag:s28], $0x1680  }
0x41: {  	[sflag:s28] =	ssyncset.done $0x0  }
0x42: {  	s25 =	rddreg [dreg:$0x11];
	[sflag:s28] =	ssyncadd.s32 $0xFFFFE980  }
0x43: {  	[spmem:s25] =	stream.linear.scatter [tilespmem:s26], [sflag:$0x4], $0x1680, $0x38;
	[tilespmem:$0x1DBA0] =	vst v63  }
0x44: {  	_ =	swait.ge [sflag:s28], $0x1680  }
0x45: {  	[sflag:s28] =	ssyncset.done $0x0  }
0x46: {  	s22 =	rddreg [dreg:$0x12];
	[sflag:s28] =	ssyncadd.s32 $0xFFFFE980  }
0x47: {  	[spmem:s22] =	stream.linear.scatter [tilespmem:s26], [sflag:$0x4], $0x1680, $0x38;
	[tilespmem:$0x1DBA0] =	vst v63  }
0x48: {  	_ =	swait.ge [sflag:s28], $0x1680  }
0x49: {  	[sflag:s28] =	ssyncset.done $0x0  }
0x4a: {  	s23 =	rddreg [dreg:$0x13];
	[sflag:s28] =	ssyncadd.s32 $0xFFFFE980  }
0x4b: {  	[spmem:s23] =	stream.linear.scatter [tilespmem:s26], [sflag:$0x4], $0x1680, $0x38;
	[tilespmem:$0x1DBA0] =	vst v63  }
0x4c: {  	_ =	swait.ge [sflag:s28], $0x1680  }
0x4d: {  	[sflag:s28] =	ssyncset.done $0x0  }
0x4e: {  	s24 =	rddreg [dreg:$0x14];
	[sflag:s28] =	ssyncadd.s32 $0xFFFFE980  }
0x4f: {  	[spmem:s24] =	stream.linear.scatter [tilespmem:s26], [sflag:$0x4], $0x1680, $0x38;
	[tilespmem:$0x1DBA0] =	vst v63  }
0x50: {  	_ =	swait.ge [sflag:s28], $0x1680  }
0x51: {  	[sflag:s28] =	ssyncset.done $0x0  }
0x52: {  	s25 =	rddreg [dreg:$0x15];
	[sflag:s28] =	ssyncadd.s32 $0xFFFFE980  }
0x53: {  	[spmem:s25] =	stream.linear.scatter [tilespmem:s26], [sflag:$0x4], $0x1680, $0x38;
	[tilespmem:$0x1DBA0] =	vst v63  }
0x54: {  	_ =	swait.ge [sflag:s28], $0x1680  }
0x55: {  	[sflag:s28] =	ssyncset.done $0x0  }
0x56: {  	s22 =	rddreg [dreg:$0x16];
	[sflag:s28] =	ssyncadd.s32 $0xFFFFE980  }
0x57: {  	[spmem:s22] =	stream.linear.scatter [tilespmem:s26], [sflag:$0x4], $0x1680, $0x38;
	[tilespmem:$0x1DBA0] =	vst v63  }
0x58: {  	_ =	swait.ge [sflag:s28], $0x1680  }
0x59: {  	[sflag:s28] =	ssyncset.done $0x0  }
0x5a: {  	s23 =	rddreg [dreg:$0x17];
	[sflag:s28] =	ssyncadd.s32 $0xFFFFE980  }
0x5b: {  	[spmem:s23] =	stream.linear.scatter [tilespmem:s26], [sflag:$0x4], $0x1680, $0x38;
	[tilespmem:$0x1DBA0] =	vst v63  }
0x5c: {  	_ =	swait.ge [sflag:s28], $0x1680  }
0x5d: {  	[sflag:s28] =	ssyncset.done $0x0  }
0x5e: {  	s24 =	rddreg [dreg:$0x18];
	[sflag:s28] =	ssyncadd.s32 $0xFFFFE980  }
0x5f: {  	[spmem:s24] =	stream.linear.scatter [tilespmem:s26], [sflag:$0x4], $0x1680, $0x38;
	[tilespmem:$0x1DBA0] =	vst v63  }
0x60: {  	_ =	swait.ge [sflag:s28], $0x1680  }
0x61: {  	[sflag:s28] =	ssyncset.done $0x0  }
0x62: {  	s25 =	rddreg [dreg:$0x19];
	[sflag:s28] =	ssyncadd.s32 $0xFFFFE980  }
0x63: {  	[spmem:s25] =	stream.linear.scatter [tilespmem:s26], [sflag:$0x4], $0x1680, $0x38;
	[tilespmem:$0x1DBA0] =	vst v63  }
0x64: {  	_ =	swait.ge [sflag:s28], $0x1680  }
0x65: {  	[sflag:s28] =	ssyncset.done $0x0  }
0x66: {  	s22 =	rddreg [dreg:$0x1a];
	[sflag:s28] =	ssyncadd.s32 $0xFFFFE980  }
0x67: {  	[spmem:s22] =	stream.linear.scatter [tilespmem:s26], [sflag:$0x4], $0x1680, $0x38;
	[tilespmem:$0x1DBA0] =	vst v63  }
0x68: {  	_ =	swait.ge [sflag:s28], $0x1680  }
0x69: {  	[sflag:s28] =	ssyncset.done $0x0  }
0x6a: {  	s23 =	rddreg [dreg:$0x1b];
	[sflag:s28] =	ssyncadd.s32 $0xFFFFE980  }
0x6b: {  	[spmem:s23] =	stream.linear.scatter [tilespmem:s26], [sflag:$0x4], $0x1680, $0x38;
	[tilespmem:$0x1DBA0] =	vst v63  }
0x6c: {  	_ =	swait.ge [sflag:s28], $0x1680  }
0x6d: {  	[sflag:s28] =	ssyncset.done $0x0  }
0x6e: {  	s24 =	rddreg [dreg:$0x1c];
	[sflag:s28] =	ssyncadd.s32 $0xFFFFE980  }
0x6f: {  	[spmem:s24] =	stream.linear.scatter [tilespmem:s26], [sflag:$0x4], $0x1680, $0x38;
	[tilespmem:$0x1DBA0] =	vst v63  }
0x70: {  	_ =	swait.ge [sflag:s28], $0x1680  }
0x71: {  	[sflag:s28] =	ssyncset.done $0x0  }
0x72: {  	s25 =	rddreg [dreg:$0x1d];
	[sflag:s28] =	ssyncadd.s32 $0xFFFFE980  }
0x73: {  	[spmem:s25] =	stream.linear.scatter [tilespmem:s26], [sflag:$0x4], $0x1680, $0x38;
	[tilespmem:$0x1DBA0] =	vst v63  }
0x74: {  	_ =	swait.ge [sflag:s28], $0x1680  }
0x75: {  	[sflag:s28] =	ssyncset.done $0x0  }
0x76: {  	s22 =	rddreg [dreg:$0x1f];
	[sflag:s28] =	ssyncadd.s32 $0xFFFFE980  }
0x77: {  	[spmem:s22] =	stream.linear.scatter [tilespmem:s26], [sflag:$0x4], $0x1680, $0x38;
	[tilespmem:$0x1DBA0] =	vst v63  }
0x78: {  	_ =	swait.ge [sflag:s28], $0x1680  }
0x79: {  	[sflag:s28] =	ssyncset.done $0x0  }
0x7a: {  	s23 =	simm.s32 $0x0;
	s24 =	rddreg [dreg:$0xc];
	[sflag:s28] =	ssyncadd.s32 $0xFFFFE980  }
0x7b: {  	[tilespmem:s23], [sflag:$0x4] =	stream.linear.gather [hbm4b:s24+s23], $0xC8, $0x38;
	[tilespmem:$0x1DBA0] =	vst v63  }
0x7c: {  	_ =	swait.ge [sflag:s28], $0xC8  }
0x7d: {  	[sflag:s28] =	ssyncset.done $0x0  }
0x7e: {  	s25 =	rddreg [dreg:$0xd];
	[sflag:s28] =	ssyncadd.s32 $0xFFFFFF38  }
0x7f: {  	[tilespmem:s29], [sflag:$0x4] =	stream.linear.gather [hbm4b:s25+s23], $0xC8, $0x38;
	[tilespmem:$0x1DBA0] =	vst v63  }
0x80: {  	_ =	swait.ge [sflag:s28], $0xC8  }
0x81: {  	[sflag:s28] =	ssyncset.done $0x0  }
0x82: {  	[sflag:s28] =	ssyncadd.s32 $0xFFFFFF38  }
0x83: {  	[bflag:$0x0] =	sbarrier.arrive $0xFFFF  }
0x84: {  	s7 =	rddreg [dreg:$0x4]  }
0x85: {  	[tilespmem:s26], [sflag:$0x1] =	stream.indirect.gather [hbm4b:s4+s30], $0x90, s3, s30, $0xb8;
	[tilespmem:$0x1DBA0] =	vst v63  }
0x86: {  	s23 =	rddreg [dreg:$0x6]  }
0x87: {  	[tilespmem:s31], [sflag:$0x1] =	stream.indirect.gather [hbm4b:s4+s30], $0x90, s30, s30, $0xb8;
	[tilespmem:$0x1DBA0] =	vst v63  }
0x88: {  	s24 =	rddreg [dreg:$0x7]  }
0x89: {  	[tilespmem:s0], [sflag:$0x1] =	stream.indirect.gather [hbm4b:s4+s30], $0x90, s23, s30, $0xb8;
	[tilespmem:$0x1DBA0] =	vst v63  }
0x8a: {  	s25 =	rddreg [dreg:$0x8]  }
0x8b: {  	[tilespmem:s1], [sflag:$0x1] =	stream.indirect.gather [hbm4b:s4+s30], $0x90, s24, s30, $0xb8;
	[tilespmem:$0x1DBA0] =	vst v63  }
0x8c: {  	s22 =	sadd.s32 $0x0, s7;
	s7 =	rddreg [dreg:$0x5]  }
0x8d: {  	[tilespmem:s5], [sflag:$0x1] =	stream.indirect.gather [hbm4b:s4+s30], $0x90, s25, s30, $0xb8;
	[tilespmem:$0x1DBA0] =	vst v63  }
0x8e: {  	s23 =	sadd.s32 $0x0, s7;
	s25 =	sadd.s32 $0x19, s22  }
0x8f: {  	[tilespmem:s6], [sflag:$0x3] =	stream.linear.gather [hbm4b:s25+s3], $0xC8, $0x38;
	[tilespmem:$0x1DBA0] =	vst v63  }
0x90: {  	s24 =	sadd.s32 $0x19, s23  }
0x91: {  	[tilespmem:s8], [sflag:$0x3] =	stream.linear.gather [hbm4b:s24+s3], $0xC8, $0x38;
	[tilespmem:$0x1DBA0] =	vst v63  }
0x92: {  	_ =	swait.ge [sflag:s9], $0x1680  }
0x93: {  	[sflag:s9] =	ssyncset.done $0x0  }
0x94: {  	[sflag:s9] =	ssyncadd.s32 $0xFFFFE980  }
0x95: {  	[spmem:s2] =	stream.indirect.scatter.add.f32 [tilespmem:s26], [sflag:$0x2], $0x90, s29, s30, $0xb8;
	[tilespmem:$0x1DBA0] =	vst v63  }
0x96: {  	_ =	swait.ge [sflag:s9], $0x1680  }
0x97: {  	[sflag:s9] =	ssyncset.done $0x0  }
0x98: {  	s7 =	rddreg [dreg:$0x9];
	[sflag:s9] =	ssyncadd.s32 $0xFFFFE980  }
0x99: {  	[spmem:s2] =	stream.indirect.scatter.add.f32 [tilespmem:s31], [sflag:$0x2], $0x90, s7, s30, $0xb8;
	[tilespmem:$0x1DBA0] =	vst v63  }
0x9a: {  	_ =	swait.ge [sflag:s9], $0x1680  }
0x9b: {  	[sflag:s9] =	ssyncset.done $0x0  }
0x9c: {  	s25 =	rddreg [dreg:$0xa];
	[sflag:s9] =	ssyncadd.s32 $0xFFFFE980  }
0x9d: {  	[spmem:s2] =	stream.indirect.scatter.add.f32 [tilespmem:s0], [sflag:$0x2], $0x90, s25, s30, $0xb8;
	[tilespmem:$0x1DBA0] =	vst v63  }
0x9e: {  	_ =	swait.ge [sflag:s9], $0x1680  }
0x9f: {  	[sflag:s9] =	ssyncset.done $0x0  }
0xa0: {  	s7 =	rddreg [dreg:$0xb];
	[sflag:s9] =	ssyncadd.s32 $0xFFFFE980  }
0xa1: {  	[spmem:s2] =	stream.indirect.scatter.add.f32 [tilespmem:s1], [sflag:$0x2], $0x90, s7, s30, $0xb8;
	[tilespmem:$0x1DBA0] =	vst v63  }
0xa2: {  	_ =	swait.ge [sflag:s9], $0x1680  }
0xa3: {  	[sflag:s9] =	ssyncset.done $0x0  }
0xa4: {  	[sflag:s9] =	ssyncadd.s32 $0xFFFFE980  }
0xa5: {  	[spmem:s2] =	stream.indirect.scatter.add.f32 [tilespmem:s5], [sflag:$0x2], $0x90, s10, s30, $0xb8;
	[tilespmem:$0x1DBA0] =	vst v63  }
0xa6: {  	_ =	swait.ge [sflag:s11], $0x1680  }
0xa7: {  	[sflag:s11] =	ssyncset.done $0x0  }
0xa8: {  	[sflag:s11] =	ssyncadd.s32 $0xFFFFE980  }
0xa9: {  	_ =	swait.ge [sflag:s11], $0x1680  }
0xaa: {  	[sflag:s11] =	ssyncset.done $0x0  }
0xab: {  	[sflag:s11] =	ssyncadd.s32 $0xFFFFE980  }
0xac: {  	_ =	swait.ge [sflag:s11], $0x1680  }
0xad: {  	[sflag:s11] =	ssyncset.done $0x0  }
0xae: {  	[sflag:s11] =	ssyncadd.s32 $0xFFFFE980  }
0xaf: {  	_ =	swait.ge [sflag:s11], $0x1680  }
0xb0: {  	[sflag:s11] =	ssyncset.done $0x0  }
0xb1: {  	[sflag:s11] =	ssyncadd.s32 $0xFFFFE980  }
0xb2: {  	_ =	swait.ge [sflag:s11], $0x1680  }
0xb3: {  	[sflag:s11] =	ssyncset.done $0x0  }
0xb4: {  	[sflag:s11] =	ssyncadd.s32 $0xFFFFE980  }
0xb5: {  	_ =	swait.ge [sflag:s12], $0xC8  }
0xb6: {  	[sflag:s12] =	ssyncset.done $0x0  }
0xb7: {  	[sflag:s12] =	ssyncadd.s32 $0xFFFFFF38  }
0xb8: {  	_ =	swait.ge [sflag:s12], $0xC8  }
0xb9: {  	[sflag:s12] =	ssyncset.done $0x0  }
0xba: {  	[sflag:s12] =	ssyncadd.s32 $0xFFFFFF38  }
0xbb: {  	[tilespmem:s26], [sflag:$0x1] =	stream.indirect.gather [hbm4b:s4+s30], $0x90, s6, s30, $0xb8;
	[tilespmem:$0x1DBA0] =	vst v63  }
0xbc: {  	_ = 	snop  }
0xbd: {  	[tilespmem:s31], [sflag:$0x1] =	stream.indirect.gather [hbm4b:s4+s30], $0x90, s13, s30, $0xb8;
	[tilespmem:$0x1DBA0] =	vst v63  }
0xbe: {  	_ = 	snop  }
0xbf: {  	[tilespmem:s0], [sflag:$0x1] =	stream.indirect.gather [hbm4b:s4+s30], $0x90, s14, s30, $0xb8;
	[tilespmem:$0x1DBA0] =	vst v63  }
0xc0: {  	_ = 	snop  }
0xc1: {  	[tilespmem:s1], [sflag:$0x1] =	stream.indirect.gather [hbm4b:s4+s30], $0x90, s15, s30, $0xb8;
	[tilespmem:$0x1DBA0] =	vst v63  }
0xc2: {  	_ = 	snop  }
0xc3: {  	[tilespmem:s5], [sflag:$0x1] =	stream.indirect.gather [hbm4b:s4+s30], $0x90, s16, s30, $0xb8;
	[tilespmem:$0x1DBA0] =	vst v63  }
0xc4: {  	s22 =	sadd.s32 $0x32, s22  }
0xc5: {  	[tilespmem:s3], [sflag:$0x3] =	stream.linear.gather [hbm4b:s22+s3], $0xC8, $0x38;
	[tilespmem:$0x1DBA0] =	vst v63  }
0xc6: {  	s25 =	sadd.s32 $0x32, s23  }
0xc7: {  	[tilespmem:s29], [sflag:$0x3] =	stream.linear.gather [hbm4b:s25+s3], $0xC8, $0x38;
	[tilespmem:$0x1DBA0] =	vst v63  }
0xc8: {  	_ =	swait.ge [sflag:s9], $0x1680  }
0xc9: {  	[sflag:s9] =	ssyncset.done $0x0  }
0xca: {  	[sflag:s9] =	ssyncadd.s32 $0xFFFFE980  }
0xcb: {  	[spmem:s2] =	stream.indirect.scatter.add.f32 [tilespmem:s26], [sflag:$0x2], $0x90, s8, s30, $0xb8;
	[tilespmem:$0x1DBA0] =	vst v63  }
0xcc: {  	_ =	swait.ge [sflag:s9], $0x1680  }
0xcd: {  	[sflag:s9] =	ssyncset.done $0x0  }
0xce: {  	[sflag:s9] =	ssyncadd.s32 $0xFFFFE980  }
0xcf: {  	[spmem:s2] =	stream.indirect.scatter.add.f32 [tilespmem:s31], [sflag:$0x2], $0x90, s17, s30, $0xb8;
	[tilespmem:$0x1DBA0] =	vst v63  }
0xd0: {  	_ =	swait.ge [sflag:s9], $0x1680  }
0xd1: {  	[sflag:s9] =	ssyncset.done $0x0  }
0xd2: {  	[sflag:s9] =	ssyncadd.s32 $0xFFFFE980  }
0xd3: {  	[spmem:s2] =	stream.indirect.scatter.add.f32 [tilespmem:s0], [sflag:$0x2], $0x90, s18, s30, $0xb8;
	[tilespmem:$0x1DBA0] =	vst v63  }
0xd4: {  	_ =	swait.ge [sflag:s9], $0x1680  }
0xd5: {  	[sflag:s9] =	ssyncset.done $0x0  }
0xd6: {  	[sflag:s9] =	ssyncadd.s32 $0xFFFFE980  }
0xd7: {  	[spmem:s2] =	stream.indirect.scatter.add.f32 [tilespmem:s1], [sflag:$0x2], $0x90, s19, s30, $0xb8;
	[tilespmem:$0x1DBA0] =	vst v63  }
0xd8: {  	_ =	swait.ge [sflag:s9], $0x1680  }
0xd9: {  	[sflag:s9] =	ssyncset.done $0x0  }
0xda: {  	[sflag:s9] =	ssyncadd.s32 $0xFFFFE980  }
0xdb: {  	[spmem:s2] =	stream.indirect.scatter.add.f32 [tilespmem:s5], [sflag:$0x2], $0x90, s20, s30, $0xb8;
	[tilespmem:$0x1DBA0] =	vst v63  }
0xdc: {  	_ =	swait.ge [sflag:s11], $0x1680  }
0xdd: {  	[sflag:s11] =	ssyncset.done $0x0  }
0xde: {  	[sflag:s11] =	ssyncadd.s32 $0xFFFFE980  }
0xdf: {  	_ =	swait.ge [sflag:s11], $0x1680  }
0xe0: {  	[sflag:s11] =	ssyncset.done $0x0  }
0xe1: {  	[sflag:s11] =	ssyncadd.s32 $0xFFFFE980  }
0xe2: {  	_ =	swait.ge [sflag:s11], $0x1680  }
0xe3: {  	[sflag:s11] =	ssyncset.done $0x0  }
0xe4: {  	[sflag:s11] =	ssyncadd.s32 $0xFFFFE980  }
0xe5: {  	_ =	swait.ge [sflag:s11], $0x1680  }
0xe6: {  	[sflag:s11] =	ssyncset.done $0x0  }
0xe7: {  	[sflag:s11] =	ssyncadd.s32 $0xFFFFE980  }
0xe8: {  	_ =	swait.ge [sflag:s11], $0x1680  }
0xe9: {  	[sflag:s11] =	ssyncset.done $0x0  }
0xea: {  	[sflag:s11] =	ssyncadd.s32 $0xFFFFE980  }
0xeb: {  	_ =	swait.ge [sflag:s12], $0xC8  }
0xec: {  	[sflag:s12] =	ssyncset.done $0x0  }
0xed: {  	[sflag:s12] =	ssyncadd.s32 $0xFFFFFF38  }
0xee: {  	s22 =	simm.s32 $0x32;
	_ =	swait.ge [sflag:s12], $0xC8  }
.LBB2_4:
0xef: {  	[sflag:s12] =	ssyncset.done $0x0  }
0xf0: {  	s23 =	rddreg [dreg:$0x4];
	[sflag:s12] =	ssyncadd.s32 $0xFFFFFF38  }
0xf1: {  	[tilespmem:s26], [sflag:$0x1] =	stream.indirect.gather [hbm4b:s4+s30], $0x90, s3, s30, $0xb8;
	[tilespmem:$0x1DBA0] =	vst v63  }
0xf2: {  	s25 =	rddreg [dreg:$0x6]  }
0xf3: {  	[tilespmem:s31], [sflag:$0x1] =	stream.indirect.gather [hbm4b:s4+s30], $0x90, s30, s30, $0xb8;
	[tilespmem:$0x1DBA0] =	vst v63  }
0xf4: {  	s7 =	rddreg [dreg:$0x7]  }
0xf5: {  	[tilespmem:s0], [sflag:$0x1] =	stream.indirect.gather [hbm4b:s4+s30], $0x90, s25, s30, $0xb8;
	[tilespmem:$0x1DBA0] =	vst v63  }
0xf6: {  	s24 =	smov.u32 s22;
	s25 =	rddreg [dreg:$0x8]  }
0xf7: {  	[tilespmem:s1], [sflag:$0x1] =	stream.indirect.gather [hbm4b:s4+s30], $0x90, s7, s30, $0xb8;
	[tilespmem:$0x1DBA0] =	vst v63  }
0xf8: {  	s23 =	sadd.s32 s24, s23;
	s7 =	rddreg [dreg:$0x5]  }
0xf9: {  	[tilespmem:s5], [sflag:$0x1] =	stream.indirect.gather [hbm4b:s4+s30], $0x90, s25, s30, $0xb8;
	[tilespmem:$0x1DBA0] =	vst v63  }
0xfa: {  	s24 =	sadd.s32 s24, s7;
	s25 =	sadd.s32 $0x19, s23  }
0xfb: {  	[tilespmem:s6], [sflag:$0x3] =	stream.linear.gather [hbm4b:s25+s3], $0xC8, $0x38;
	[tilespmem:$0x1DBA0] =	vst v63  }
0xfc: {  	s7 =	sadd.s32 $0x19, s24  }
0xfd: {  	[tilespmem:s8], [sflag:$0x3] =	stream.linear.gather [hbm4b:s7+s3], $0xC8, $0x38;
	[tilespmem:$0x1DBA0] =	vst v63  }
0xfe: {  	_ =	swait.ge [sflag:s9], $0x1680  }
0xff: {  	[sflag:s9] =	ssyncset.done $0x0  }
0x100: {  	[sflag:s9] =	ssyncadd.s32 $0xFFFFE980  }
0x101: {  	[spmem:s2] =	stream.indirect.scatter.add.f32 [tilespmem:s26], [sflag:$0x2], $0x90, s29, s30, $0xb8;
	[tilespmem:$0x1DBA0] =	vst v63  }
0x102: {  	_ =	swait.ge [sflag:s9], $0x1680  }
0x103: {  	[sflag:s9] =	ssyncset.done $0x0  }
0x104: {  	s25 =	rddreg [dreg:$0x9];
	[sflag:s9] =	ssyncadd.s32 $0xFFFFE980  }
0x105: {  	[spmem:s2] =	stream.indirect.scatter.add.f32 [tilespmem:s31], [sflag:$0x2], $0x90, s25, s30, $0xb8;
	[tilespmem:$0x1DBA0] =	vst v63  }
0x106: {  	_ =	swait.ge [sflag:s9], $0x1680  }
0x107: {  	[sflag:s9] =	ssyncset.done $0x0  }
0x108: {  	s25 =	rddreg [dreg:$0xa];
	[sflag:s9] =	ssyncadd.s32 $0xFFFFE980  }
0x109: {  	[spmem:s2] =	stream.indirect.scatter.add.f32 [tilespmem:s0], [sflag:$0x2], $0x90, s25, s30, $0xb8;
	[tilespmem:$0x1DBA0] =	vst v63  }
0x10a: {  	_ =	swait.ge [sflag:s9], $0x1680  }
0x10b: {  	[sflag:s9] =	ssyncset.done $0x0  }
0x10c: {  	s25 =	rddreg [dreg:$0xb];
	[sflag:s9] =	ssyncadd.s32 $0xFFFFE980  }
0x10d: {  	[spmem:s2] =	stream.indirect.scatter.add.f32 [tilespmem:s1], [sflag:$0x2], $0x90, s25, s30, $0xb8;
	[tilespmem:$0x1DBA0] =	vst v63  }
0x10e: {  	_ =	swait.ge [sflag:s9], $0x1680  }
0x10f: {  	[sflag:s9] =	ssyncset.done $0x0  }
0x110: {  	[sflag:s9] =	ssyncadd.s32 $0xFFFFE980  }
0x111: {  	[spmem:s2] =	stream.indirect.scatter.add.f32 [tilespmem:s5], [sflag:$0x2], $0x90, s10, s30, $0xb8;
	[tilespmem:$0x1DBA0] =	vst v63  }
0x112: {  	_ =	swait.ge [sflag:s11], $0x1680  }
0x113: {  	[sflag:s11] =	ssyncset.done $0x0  }
0x114: {  	[sflag:s11] =	ssyncadd.s32 $0xFFFFE980  }
0x115: {  	_ =	swait.ge [sflag:s11], $0x1680  }
0x116: {  	[sflag:s11] =	ssyncset.done $0x0  }
0x117: {  	[sflag:s11] =	ssyncadd.s32 $0xFFFFE980  }
0x118: {  	_ =	swait.ge [sflag:s11], $0x1680  }
0x119: {  	[sflag:s11] =	ssyncset.done $0x0  }
0x11a: {  	[sflag:s11] =	ssyncadd.s32 $0xFFFFE980  }
0x11b: {  	_ =	swait.ge [sflag:s11], $0x1680  }
0x11c: {  	[sflag:s11] =	ssyncset.done $0x0  }
0x11d: {  	[sflag:s11] =	ssyncadd.s32 $0xFFFFE980  }
0x11e: {  	_ =	swait.ge [sflag:s11], $0x1680  }
0x11f: {  	[sflag:s11] =	ssyncset.done $0x0  }
0x120: {  	[sflag:s11] =	ssyncadd.s32 $0xFFFFE980  }
0x121: {  	_ =	swait.ge [sflag:s12], $0xC8  }
0x122: {  	[sflag:s12] =	ssyncset.done $0x0  }
0x123: {  	[sflag:s12] =	ssyncadd.s32 $0xFFFFFF38  }
0x124: {  	_ =	swait.ge [sflag:s12], $0xC8  }
0x125: {  	[sflag:s12] =	ssyncset.done $0x0  }
0x126: {  	[sflag:s12] =	ssyncadd.s32 $0xFFFFFF38  }
0x127: {  	[tilespmem:s26], [sflag:$0x1] =	stream.indirect.gather [hbm4b:s4+s30], $0x90, s6, s30, $0xb8;
	[tilespmem:$0x1DBA0] =	vst v63  }
0x128: {  	_ = 	snop  }
0x129: {  	[tilespmem:s31], [sflag:$0x1] =	stream.indirect.gather [hbm4b:s4+s30], $0x90, s13, s30, $0xb8;
	[tilespmem:$0x1DBA0] =	vst v63  }
0x12a: {  	_ = 	snop  }
0x12b: {  	[tilespmem:s0], [sflag:$0x1] =	stream.indirect.gather [hbm4b:s4+s30], $0x90, s14, s30, $0xb8;
	[tilespmem:$0x1DBA0] =	vst v63  }
0x12c: {  	_ = 	snop  }
0x12d: {  	[tilespmem:s1], [sflag:$0x1] =	stream.indirect.gather [hbm4b:s4+s30], $0x90, s15, s30, $0xb8;
	[tilespmem:$0x1DBA0] =	vst v63  }
0x12e: {  	_ = 	snop  }
0x12f: {  	[tilespmem:s5], [sflag:$0x1] =	stream.indirect.gather [hbm4b:s4+s30], $0x90, s16, s30, $0xb8;
	[tilespmem:$0x1DBA0] =	vst v63  }
0x130: {  	s23 =	sadd.s32 $0x32, s23  }
0x131: {  	[tilespmem:s3], [sflag:$0x3] =	stream.linear.gather [hbm4b:s23+s3], $0xC8, $0x38;
	[tilespmem:$0x1DBA0] =	vst v63  }
0x132: {  	s25 =	sadd.s32 $0x32, s24  }
0x133: {  	[tilespmem:s29], [sflag:$0x3] =	stream.linear.gather [hbm4b:s25+s3], $0xC8, $0x38;
	[tilespmem:$0x1DBA0] =	vst v63  }
0x134: {  	_ =	swait.ge [sflag:s9], $0x1680  }
0x135: {  	[sflag:s9] =	ssyncset.done $0x0  }
0x136: {  	[sflag:s9] =	ssyncadd.s32 $0xFFFFE980  }
0x137: {  	[spmem:s2] =	stream.indirect.scatter.add.f32 [tilespmem:s26], [sflag:$0x2], $0x90, s8, s30, $0xb8;
	[tilespmem:$0x1DBA0] =	vst v63  }
0x138: {  	_ =	swait.ge [sflag:s9], $0x1680  }
0x139: {  	[sflag:s9] =	ssyncset.done $0x0  }
0x13a: {  	[sflag:s9] =	ssyncadd.s32 $0xFFFFE980  }
0x13b: {  	[spmem:s2] =	stream.indirect.scatter.add.f32 [tilespmem:s31], [sflag:$0x2], $0x90, s17, s30, $0xb8;
	[tilespmem:$0x1DBA0] =	vst v63  }
0x13c: {  	_ =	swait.ge [sflag:s9], $0x1680  }
0x13d: {  	[sflag:s9] =	ssyncset.done $0x0  }
0x13e: {  	[sflag:s9] =	ssyncadd.s32 $0xFFFFE980  }
0x13f: {  	[spmem:s2] =	stream.indirect.scatter.add.f32 [tilespmem:s0], [sflag:$0x2], $0x90, s18, s30, $0xb8;
	[tilespmem:$0x1DBA0] =	vst v63  }
0x140: {  	_ =	swait.ge [sflag:s9], $0x1680  }
0x141: {  	[sflag:s9] =	ssyncset.done $0x0  }
0x142: {  	[sflag:s9] =	ssyncadd.s32 $0xFFFFE980  }
0x143: {  	[spmem:s2] =	stream.indirect.scatter.add.f32 [tilespmem:s1], [sflag:$0x2], $0x90, s19, s30, $0xb8;
	[tilespmem:$0x1DBA0] =	vst v63  }
0x144: {  	_ =	swait.ge [sflag:s9], $0x1680  }
0x145: {  	[sflag:s9] =	ssyncset.done $0x0  }
0x146: {  	[sflag:s9] =	ssyncadd.s32 $0xFFFFE980  }
0x147: {  	[spmem:s2] =	stream.indirect.scatter.add.f32 [tilespmem:s5], [sflag:$0x2], $0x90, s20, s30, $0xb8;
	[tilespmem:$0x1DBA0] =	vst v63  }
0x148: {  	_ =	swait.ge [sflag:s11], $0x1680  }
0x149: {  	[sflag:s11] =	ssyncset.done $0x0  }
0x14a: {  	[sflag:s11] =	ssyncadd.s32 $0xFFFFE980  }
0x14b: {  	_ =	swait.ge [sflag:s11], $0x1680  }
0x14c: {  	[sflag:s11] =	ssyncset.done $0x0  }
0x14d: {  	[sflag:s11] =	ssyncadd.s32 $0xFFFFE980  }
0x14e: {  	_ =	swait.ge [sflag:s11], $0x1680  }
0x14f: {  	[sflag:s11] =	ssyncset.done $0x0  }
0x150: {  	[sflag:s11] =	ssyncadd.s32 $0xFFFFE980  }
0x151: {  	_ =	swait.ge [sflag:s11], $0x1680  }
0x152: {  	[sflag:s11] =	ssyncset.done $0x0  }
0x153: {  	[sflag:s11] =	ssyncadd.s32 $0xFFFFE980  }
0x154: {  	_ =	swait.ge [sflag:s11], $0x1680  }
0x155: {  	p0 =	sne.s32 s22, $0x4B0;
	[sflag:s11] =	ssyncset.done $0x0  }
.Ltmp1:
0x156: {  	[sflag:s11] =	ssyncadd.s32 $0xFFFFE980;
	(pc) =	sbr.rel @p0 .LBB2_4-.Ltmp1, $4  }
0x157: {  	_ =	swait.ge [sflag:s12], $0xC8  }
0x158: {  	[sflag:s12] =	ssyncset.done $0x0  }
0x159: {  	[sflag:s12] =	ssyncadd.s32 $0xFFFFFF38  }
0x15a: {  	s22 =	sadd.s32 $0x32, s22;
	_ =	swait.ge [sflag:s12], $0xC8  }
0x15b: {  	[sflag:s12] =	ssyncset.done $0x0  }
0x15c: {  	[sflag:s12] =	ssyncadd.s32 $0xFFFFFF38  }
0x15d: {  	[bflag:$0x0] =	sbarrier.arrive $0xFFFF  }
0x15e: {  	s7 =	stileid.u32;
	s23 =	sld [smem:$0x7FD]  }
0x15f: {  	s7 =	sshll.u32 s7, $0x6  }
0x160: {  	s7 =	sor.u32 $0x1C04, s7;
	s22 =	rddreg [dreg:$0x1e]  }
0x161: {  	[hbm:s22], [sflag:s7] =	dma.local [spmem:s23], $0x2D00  }
0x162: {  	_ =	swait.ge [sflag:s28], $0x2D00  }
0x163: {  	s21 =	sadd.s32 $0x1, s21;
	s25 =	rddreg [dreg:$0xf]  }
0x164: {  	p0 =	sne.s32 s21, s25  }
.Ltmp2:
0x165: {  	_ = 	snop;
	(pc) =	sbr.rel @p0 .LBB2_1-.Ltmp2, $3  }
0x166: {  	_ =	sdelay $0x1  }
0x167: {  	[sflag:s28] =	ssyncset.done $0x0  }
0x168: {  	[sflag:s28] =	ssyncadd.s32 $0xFFFFD300  }
0x169: {  	_ =	sfence.sel $0x180000  }
0x16a: {  	[bflag:$0x0] =	sbarrier.arrive $0xFFFF  }
0x16b: {  	_ =	strace $0x90000047  }
0x16c: {  	s0 =	stileid.u32;
	[bflag:$0x2] =	sbarrier.arrive $0xFFFF  }
0x16d: {  	p0 =	sne.s32 s0, $0x0;
	s0 =	rddreg [dreg:$0x3]  }
0x16e: {  	s0 =	sadd.s32 @!p0 $0x100000, s0  }
0x16f: {  	[sflag:s0] =	ssyncadd.tile.s32 @!p0 $0x1;
	_ =	shalt  }
.Lfunc_end2:
_tile_overlayer_lowered:
.L_overlay_start_2:
0x170: {  	(tag) =	ssettag $0x2  }
0x171: {  	s0 =	rddreg [dreg:$0x0];
	s2 =	stileid.u32  }
0x172: {  	s1 =	rddreg [dreg:$0x1];
	p0 =	sne.s32 s2, $0x0  }
0x173: {  	s3 =	rddreg [dreg:$0x2];
	[bflag:$0x3] =	sbarrier.arrive $0xFFFF;
	s2 =	simm.s32 @!p0 $0x1C04  }
0x174: {  	[timem:s3], [sflag:s2] =	dma.local @!p0 [hbm:s0], s1  }
0x175: {  	s0 =	simm.s32 @!p0 $0x4  }
0x176: {  	_ =	swait.ge @!p0 [sflag:s0], s1  }
0x177: {  	s1 =	ssub.s32 @!p0 $0x0, s1;
	[sflag:s0] =	ssyncset.done @!p0 $0x0  }
0x178: {  	[sflag:s0] =	ssyncadd.s32 @!p0 s1  }
0x179: {  	[bflag:$0x3] =	sbarrier.arrive $0xFFFF  }
0x17a: {  	_ =	shalt  }

</sc_bundles>
